<compile_context>
chip_gen: v7x
topology: tpu7x:2x2x1
jax: 0.10.2.dev20260603
libtpu: 0.0.44.dev20260713+nightly
codegen_flags: <defaults>
</compile_context>

<pallas_src>
import functools

import jax
import jax.numpy as jnp
from jax import lax
from jax.experimental import pallas as pl
from jax.experimental.pallas import tpu as pltpu
from jax.experimental.pallas import tpu_sc as plsc


def _panel_kernel(row_ref, col_ref, out_ref, *, h, w, d):
    hw = h * w
    p = jax.lax.broadcasted_iota(jnp.int32, (hw, max(h, w)), 0)
    q = jax.lax.broadcasted_iota(jnp.int32, (hw, max(h, w)), 1)
    sel_col = (p % w == q).astype(jnp.float32)[:, :w]
    sel_row = (p // w == q).astype(jnp.float32)[:, :h]
    out_ref[:, :d] = jax.lax.dot_general(
        sel_col, col_ref[:w, :], (((1,), (0,)), ((), ())),
        preferred_element_type=jnp.float32,
        precision=jax.lax.Precision.HIGHEST)
    out_ref[:, d:] = jax.lax.dot_general(
        sel_row, row_ref[:h, :], (((1,), (0,)), ((), ())),
        preferred_element_type=jnp.float32,
        precision=jax.lax.Precision.HIGHEST)


_NTILE = 28
_PPT = 7


def _sc_body(panel_ref, out_ref, idx_ref, rows_ref, sem, *, b):
    wid = lax.axis_index("s") * 2 + lax.axis_index("c")

    @pl.when(wid < _NTILE)
    def _():
        p0 = wid * _PPT
        for k in range(_PPT):
            for n in range(b // 16):
                idx_ref[pl.ds(b * k + 16 * n, 16)] = jnp.full(
                    (16,), k, jnp.int32) + p0
        for k in range(_PPT):
            pltpu.make_async_copy(
                panel_ref.at[idx_ref.at[pl.ds(b * k, b)]],
                rows_ref.at[k], sem).start()
        for k in range(_PPT):
            pltpu.make_async_copy(
                panel_ref.at[idx_ref.at[pl.ds(b * k, b)]],
                rows_ref.at[k], sem).wait()
        pltpu.sync_copy(rows_ref, out_ref.at[pl.ds(p0, _PPT)])


def kernel(x, row_embed, col_embed):
    b = x.shape[0]
    h, w = x.shape[2], x.shape[3]
    n, d = row_embed.shape
    hw = h * w
    panel = pl.pallas_call(
        functools.partial(_panel_kernel, h=h, w=w, d=d),
        in_specs=[
            pl.BlockSpec((n, d), lambda: (0, 0)),
            pl.BlockSpec((n, d), lambda: (0, 0)),
        ],
        out_specs=pl.BlockSpec((hw, 2 * d), lambda: (0, 0)),
        out_shape=jax.ShapeDtypeStruct((hw, 2 * d), jnp.float32),
    )(row_embed, col_embed)

    mesh = plsc.VectorSubcoreMesh(core_axis_name="c", subcore_axis_name="s")
    sc = pl.kernel(
        functools.partial(_sc_body, b=b),
        mesh=mesh,
        out_type=jax.ShapeDtypeStruct((hw, b, 2 * d), jnp.float32),
        scratch_types=[
            pltpu.VMEM((_PPT * b,), jnp.int32),
            pltpu.VMEM((_PPT, b, 2 * d), jnp.float32),
            pltpu.SemaphoreType.DMA,
        ],
    )
    out = sc(panel)
    return jnp.transpose(out.reshape(h, w, b, 2 * d), (2, 3, 0, 1))

# --- scband reference (transcript-rebuilt; emitter-appended) ---
"""Pipeline reference for scband-pos-embed-64561948394145 (READ-ONLY COPY).

The authoritative reference and input builder live on the scoring server;
editing this copy changes nothing except your own understanding.
"""

import jax, jax.numpy as jnp
import numpy as np

EMBED_DIM = 128
NUM_EMB = 15

def setup_inputs(seed: int = 0) -> dict:
    key = jax.random.key(seed)
    k1, k2, k3 = jax.random.split(key, 3)
    x = jax.random.normal(k1, (64, 768, 14, 14), dtype=jnp.float32)
    row_embed = jax.random.normal(k2, (NUM_EMB, EMBED_DIM), dtype=jnp.float32)
    col_embed = jax.random.normal(k3, (NUM_EMB, EMBED_DIM), dtype=jnp.float32)
    return {"x": x, "row_embed": row_embed, "col_embed": col_embed}

def reference(x, row_embed, col_embed):
    h, w = x.shape[2], x.shape[3]
    i = jnp.arange(w)
    j = jnp.arange(h)
    x_embed = jnp.take(col_embed, i, axis=0)  # [w, d]
    y_embed = jnp.take(row_embed, j, axis=0)  # [h, d]
    pos = jnp.concatenate([
        jnp.tile(x_embed[None, :, :], (h, 1, 1)),
        jnp.tile(y_embed[:, None, :], (1, w, 1)),
    ], axis=-1)  # [h, w, 2d]
    pos = jnp.transpose(pos, (2, 0, 1))  # [2d, h, w]
    pos = pos[None, :, :, :]
    pos = jnp.tile(pos, (x.shape[0], 1, 1, 1))  # [B, 2d, h, w]
    return pos

if __name__ == "__main__":
    import jax
    _d = setup_inputs()
    print(jax.jit(kernel)(*tuple(_d.values())))

</pallas_src>

<mosaic_0001>
#map = affine_map<(d0, d1) -> (0, 0)>
#map1 = affine_map<(d0, d1) -> (0, 0, 0)>
module attributes {stable_mosaic.version = 14 : i64} {
  func.func @_sc_body(%arg0: i32, %arg1: i32, %arg2: memref<196x256xf32, #tpu.memory_space<hbm>>, %arg3: memref<196x64x256xf32, #tpu.memory_space<hbm>>, %arg4: memref<448xi32, #tpu.memory_space<vmem>>, %arg5: memref<7x64x256xf32, #tpu.memory_space<vmem>>, %arg6: memref<!tpu.dma_semaphore, #tpu.memory_space<semaphore_mem>>) attributes {dimension_semantics = [#tpu.dimension_semantics<core_parallel>, #tpu.dimension_semantics<subcore_parallel>], iteration_bounds = array<i64: 2, 16>, scalar_prefetch = 0 : i64, scratch_operands = 3 : i64, tpu.core_type = #tpu.core_type<sc_vector_subcore>, window_params = [{transform_indices = #map}, {transform_indices = #map1}]} {
    %mul3A = arith.constant 2 : i32
    %mul3A_0 = arith.muli %arg1, %mul3A : i32
    %add3A = arith.addi %mul3A_0, %arg0 : i32
    %lt3A = arith.constant 28 : i32
    %lt3A_1 = arith.cmpi slt, %add3A, %lt3A : i32
    %convert_element_type3A = arith.extui %lt3A_1 : i1 to i32
    %cond3A = arith.constant 0 : i32
    %cond3A_2 = arith.cmpi ne, %convert_element_type3A, %cond3A : i32
    scf.if %cond3A_2 {
      %mul3A_3 = arith.constant 7 : i32
      %mul3A_4 = arith.muli %add3A, %mul3A_3 : i32
      %broadcast_in_dim3A = arith.constant 0 : i32
      %broadcast_in_dim3A_5 = vector.broadcast %broadcast_in_dim3A : i32 to vector<16xi32>
      %add3A_6 = vector.broadcast %mul3A_4 : i32 to vector<16xi32>
      %add3A_7 = arith.addi %broadcast_in_dim3A_5, %add3A_6 : vector<16xi32>
      %swap3A = arith.constant 0 : index
      %swap3A_8 = tpu.vector_load %arg4[%swap3A] {strides = array<i32>} : memref<448xi32, #tpu.memory_space<vmem>>, vector<16xi32>,
      %swap3A_9 = vector.shape_cast %swap3A_8 : vector<16xi32> to vector<16xi32>
      %swap3A_10 = vector.shape_cast %add3A_7 : vector<16xi32> to vector<16xi32>
      tpu.vector_store %arg4[%swap3A], %swap3A_10 {strides = array<i32>} : memref<448xi32, #tpu.memory_space<vmem>>, vector<16xi32>,
      %broadcast_in_dim3A_11 = arith.constant 0 : i32
      %broadcast_in_dim3A_12 = vector.broadcast %broadcast_in_dim3A_11 : i32 to vector<16xi32>
      %add3A_13 = vector.broadcast %mul3A_4 : i32 to vector<16xi32>
      %add3A_14 = arith.addi %broadcast_in_dim3A_12, %add3A_13 : vector<16xi32>
      %swap3A_15 = arith.constant 16 : index
      %swap3A_16 = tpu.vector_load %arg4[%swap3A_15] {strides = array<i32>} : memref<448xi32, #tpu.memory_space<vmem>>, vector<16xi32>,
      %swap3A_17 = vector.shape_cast %swap3A_16 : vector<16xi32> to vector<16xi32>
      %swap3A_18 = vector.shape_cast %add3A_14 : vector<16xi32> to vector<16xi32>
      tpu.vector_store %arg4[%swap3A_15], %swap3A_18 {strides = array<i32>} : memref<448xi32, #tpu.memory_space<vmem>>, vector<16xi32>,
      %broadcast_in_dim3A_19 = arith.constant 0 : i32
      %broadcast_in_dim3A_20 = vector.broadcast %broadcast_in_dim3A_19 : i32 to vector<16xi32>
      %add3A_21 = vector.broadcast %mul3A_4 : i32 to vector<16xi32>
      %add3A_22 = arith.addi %broadcast_in_dim3A_20, %add3A_21 : vector<16xi32>
      %swap3A_23 = arith.constant 32 : index
      %swap3A_24 = tpu.vector_load %arg4[%swap3A_23] {strides = array<i32>} : memref<448xi32, #tpu.memory_space<vmem>>, vector<16xi32>,
      %swap3A_25 = vector.shape_cast %swap3A_24 : vector<16xi32> to vector<16xi32>
      %swap3A_26 = vector.shape_cast %add3A_22 : vector<16xi32> to vector<16xi32>
      tpu.vector_store %arg4[%swap3A_23], %swap3A_26 {strides = array<i32>} : memref<448xi32, #tpu.memory_space<vmem>>, vector<16xi32>,
      %broadcast_in_dim3A_27 = arith.constant 0 : i32
      %broadcast_in_dim3A_28 = vector.broadcast %broadcast_in_dim3A_27 : i32 to vector<16xi32>
      %add3A_29 = vector.broadcast %mul3A_4 : i32 to vector<16xi32>
      %add3A_30 = arith.addi %broadcast_in_dim3A_28, %add3A_29 : vector<16xi32>
      %swap3A_31 = arith.constant 48 : index
      %swap3A_32 = tpu.vector_load %arg4[%swap3A_31] {strides = array<i32>} : memref<448xi32, #tpu.memory_space<vmem>>, vector<16xi32>,
      %swap3A_33 = vector.shape_cast %swap3A_32 : vector<16xi32> to vector<16xi32>
      %swap3A_34 = vector.shape_cast %add3A_30 : vector<16xi32> to vector<16xi32>
      tpu.vector_store %arg4[%swap3A_31], %swap3A_34 {strides = array<i32>} : memref<448xi32, #tpu.memory_space<vmem>>, vector<16xi32>,
      %broadcast_in_dim3A_35 = arith.constant 1 : i32
      %broadcast_in_dim3A_36 = vector.broadcast %broadcast_in_dim3A_35 : i32 to vector<16xi32>
      %add3A_37 = vector.broadcast %mul3A_4 : i32 to vector<16xi32>
      %add3A_38 = arith.addi %broadcast_in_dim3A_36, %add3A_37 : vector<16xi32>
      %swap3A_39 = arith.constant 64 : index
      %swap3A_40 = tpu.vector_load %arg4[%swap3A_39] {strides = array<i32>} : memref<448xi32, #tpu.memory_space<vmem>>, vector<16xi32>,
      %swap3A_41 = vector.shape_cast %swap3A_40 : vector<16xi32> to vector<16xi32>
      %swap3A_42 = vector.shape_cast %add3A_38 : vector<16xi32> to vector<16xi32>
      tpu.vector_store %arg4[%swap3A_39], %swap3A_42 {strides = array<i32>} : memref<448xi32, #tpu.memory_space<vmem>>, vector<16xi32>,
      %broadcast_in_dim3A_43 = arith.constant 1 : i32
      %broadcast_in_dim3A_44 = vector.broadcast %broadcast_in_dim3A_43 : i32 to vector<16xi32>
      %add3A_45 = vector.broadcast %mul3A_4 : i32 to vector<16xi32>
      %add3A_46 = arith.addi %broadcast_in_dim3A_44, %add3A_45 : vector<16xi32>
      %swap3A_47 = arith.constant 80 : index
      %swap3A_48 = tpu.vector_load %arg4[%swap3A_47] {strides = array<i32>} : memref<448xi32, #tpu.memory_space<vmem>>, vector<16xi32>,
      %swap3A_49 = vector.shape_cast %swap3A_48 : vector<16xi32> to vector<16xi32>
      %swap3A_50 = vector.shape_cast %add3A_46 : vector<16xi32> to vector<16xi32>
      tpu.vector_store %arg4[%swap3A_47], %swap3A_50 {strides = array<i32>} : memref<448xi32, #tpu.memory_space<vmem>>, vector<16xi32>,
      %broadcast_in_dim3A_51 = arith.constant 1 : i32
      %broadcast_in_dim3A_52 = vector.broadcast %broadcast_in_dim3A_51 : i32 to vector<16xi32>
      %add3A_53 = vector.broadcast %mul3A_4 : i32 to vector<16xi32>
      %add3A_54 = arith.addi %broadcast_in_dim3A_52, %add3A_53 : vector<16xi32>
      %swap3A_55 = arith.constant 96 : index
      %swap3A_56 = tpu.vector_load %arg4[%swap3A_55] {strides = array<i32>} : memref<448xi32, #tpu.memory_space<vmem>>, vector<16xi32>,
      %swap3A_57 = vector.shape_cast %swap3A_56 : vector<16xi32> to vector<16xi32>
      %swap3A_58 = vector.shape_cast %add3A_54 : vector<16xi32> to vector<16xi32>
      tpu.vector_store %arg4[%swap3A_55], %swap3A_58 {strides = array<i32>} : memref<448xi32, #tpu.memory_space<vmem>>, vector<16xi32>,
      %broadcast_in_dim3A_59 = arith.constant 1 : i32
      %broadcast_in_dim3A_60 = vector.broadcast %broadcast_in_dim3A_59 : i32 to vector<16xi32>
      %add3A_61 = vector.broadcast %mul3A_4 : i32 to vector<16xi32>
      %add3A_62 = arith.addi %broadcast_in_dim3A_60, %add3A_61 : vector<16xi32>
      %swap3A_63 = arith.constant 112 : index
      %swap3A_64 = tpu.vector_load %arg4[%swap3A_63] {strides = array<i32>} : memref<448xi32, #tpu.memory_space<vmem>>, vector<16xi32>,
      %swap3A_65 = vector.shape_cast %swap3A_64 : vector<16xi32> to vector<16xi32>
      %swap3A_66 = vector.shape_cast %add3A_62 : vector<16xi32> to vector<16xi32>
      tpu.vector_store %arg4[%swap3A_63], %swap3A_66 {strides = array<i32>} : memref<448xi32, #tpu.memory_space<vmem>>, vector<16xi32>,
      %broadcast_in_dim3A_67 = arith.constant 2 : i32
      %broadcast_in_dim3A_68 = vector.broadcast %broadcast_in_dim3A_67 : i32 to vector<16xi32>
      %add3A_69 = vector.broadcast %mul3A_4 : i32 to vector<16xi32>
      %add3A_70 = arith.addi %broadcast_in_dim3A_68, %add3A_69 : vector<16xi32>
      %swap3A_71 = arith.constant 128 : index
      %swap3A_72 = tpu.vector_load %arg4[%swap3A_71] {strides = array<i32>} : memref<448xi32, #tpu.memory_space<vmem>>, vector<16xi32>,
      %swap3A_73 = vector.shape_cast %swap3A_72 : vector<16xi32> to vector<16xi32>
      %swap3A_74 = vector.shape_cast %add3A_70 : vector<16xi32> to vector<16xi32>
      tpu.vector_store %arg4[%swap3A_71], %swap3A_74 {strides = array<i32>} : memref<448xi32, #tpu.memory_space<vmem>>, vector<16xi32>,
      %broadcast_in_dim3A_75 = arith.constant 2 : i32
      %broadcast_in_dim3A_76 = vector.broadcast %broadcast_in_dim3A_75 : i32 to vector<16xi32>
      %add3A_77 = vector.broadcast %mul3A_4 : i32 to vector<16xi32>
      %add3A_78 = arith.addi %broadcast_in_dim3A_76, %add3A_77 : vector<16xi32>
      %swap3A_79 = arith.constant 144 : index
      %swap3A_80 = tpu.vector_load %arg4[%swap3A_79] {strides = array<i32>} : memref<448xi32, #tpu.memory_space<vmem>>, vector<16xi32>,
      %swap3A_81 = vector.shape_cast %swap3A_80 : vector<16xi32> to vector<16xi32>
      %swap3A_82 = vector.shape_cast %add3A_78 : vector<16xi32> to vector<16xi32>
      tpu.vector_store %arg4[%swap3A_79], %swap3A_82 {strides = array<i32>} : memref<448xi32, #tpu.memory_space<vmem>>, vector<16xi32>,
      %broadcast_in_dim3A_83 = arith.constant 2 : i32
      %broadcast_in_dim3A_84 = vector.broadcast %broadcast_in_dim3A_83 : i32 to vector<16xi32>
      %add3A_85 = vector.broadcast %mul3A_4 : i32 to vector<16xi32>
      %add3A_86 = arith.addi %broadcast_in_dim3A_84, %add3A_85 : vector<16xi32>
      %swap3A_87 = arith.constant 160 : index
      %swap3A_88 = tpu.vector_load %arg4[%swap3A_87] {strides = array<i32>} : memref<448xi32, #tpu.memory_space<vmem>>, vector<16xi32>,
      %swap3A_89 = vector.shape_cast %swap3A_88 : vector<16xi32> to vector<16xi32>
      %swap3A_90 = vector.shape_cast %add3A_86 : vector<16xi32> to vector<16xi32>
      tpu.vector_store %arg4[%swap3A_87], %swap3A_90 {strides = array<i32>} : memref<448xi32, #tpu.memory_space<vmem>>, vector<16xi32>,
      %broadcast_in_dim3A_91 = arith.constant 2 : i32
      %broadcast_in_dim3A_92 = vector.broadcast %broadcast_in_dim3A_91 : i32 to vector<16xi32>
      %add3A_93 = vector.broadcast %mul3A_4 : i32 to vector<16xi32>
      %add3A_94 = arith.addi %broadcast_in_dim3A_92, %add3A_93 : vector<16xi32>
      %swap3A_95 = arith.constant 176 : index
      %swap3A_96 = tpu.vector_load %arg4[%swap3A_95] {strides = array<i32>} : memref<448xi32, #tpu.memory_space<vmem>>, vector<16xi32>,
      %swap3A_97 = vector.shape_cast %swap3A_96 : vector<16xi32> to vector<16xi32>
      %swap3A_98 = vector.shape_cast %add3A_94 : vector<16xi32> to vector<16xi32>
      tpu.vector_store %arg4[%swap3A_95], %swap3A_98 {strides = array<i32>} : memref<448xi32, #tpu.memory_space<vmem>>, vector<16xi32>,
      %broadcast_in_dim3A_99 = arith.constant 3 : i32
      %broadcast_in_dim3A_100 = vector.broadcast %broadcast_in_dim3A_99 : i32 to vector<16xi32>
      %add3A_101 = vector.broadcast %mul3A_4 : i32 to vector<16xi32>
      %add3A_102 = arith.addi %broadcast_in_dim3A_100, %add3A_101 : vector<16xi32>
      %swap3A_103 = arith.constant 192 : index
      %swap3A_104 = tpu.vector_load %arg4[%swap3A_103] {strides = array<i32>} : memref<448xi32, #tpu.memory_space<vmem>>, vector<16xi32>,
      %swap3A_105 = vector.shape_cast %swap3A_104 : vector<16xi32> to vector<16xi32>
      %swap3A_106 = vector.shape_cast %add3A_102 : vector<16xi32> to vector<16xi32>
      tpu.vector_store %arg4[%swap3A_103], %swap3A_106 {strides = array<i32>} : memref<448xi32, #tpu.memory_space<vmem>>, vector<16xi32>,
      %broadcast_in_dim3A_107 = arith.constant 3 : i32
      %broadcast_in_dim3A_108 = vector.broadcast %broadcast_in_dim3A_107 : i32 to vector<16xi32>
      %add3A_109 = vector.broadcast %mul3A_4 : i32 to vector<16xi32>
      %add3A_110 = arith.addi %broadcast_in_dim3A_108, %add3A_109 : vector<16xi32>
      %swap3A_111 = arith.constant 208 : index
      %swap3A_112 = tpu.vector_load %arg4[%swap3A_111] {strides = array<i32>} : memref<448xi32, #tpu.memory_space<vmem>>, vector<16xi32>,
      %swap3A_113 = vector.shape_cast %swap3A_112 : vector<16xi32> to vector<16xi32>
      %swap3A_114 = vector.shape_cast %add3A_110 : vector<16xi32> to vector<16xi32>
      tpu.vector_store %arg4[%swap3A_111], %swap3A_114 {strides = array<i32>} : memref<448xi32, #tpu.memory_space<vmem>>, vector<16xi32>,
      %broadcast_in_dim3A_115 = arith.constant 3 : i32
      %broadcast_in_dim3A_116 = vector.broadcast %broadcast_in_dim3A_115 : i32 to vector<16xi32>
      %add3A_117 = vector.broadcast %mul3A_4 : i32 to vector<16xi32>
      %add3A_118 = arith.addi %broadcast_in_dim3A_116, %add3A_117 : vector<16xi32>
      %swap3A_119 = arith.constant 224 : index
      %swap3A_120 = tpu.vector_load %arg4[%swap3A_119] {strides = array<i32>} : memref<448xi32, #tpu.memory_space<vmem>>, vector<16xi32>,
      %swap3A_121 = vector.shape_cast %swap3A_120 : vector<16xi32> to vector<16xi32>
      %swap3A_122 = vector.shape_cast %add3A_118 : vector<16xi32> to vector<16xi32>
      tpu.vector_store %arg4[%swap3A_119], %swap3A_122 {strides = array<i32>} : memref<448xi32, #tpu.memory_space<vmem>>, vector<16xi32>,
      %broadcast_in_dim3A_123 = arith.constant 3 : i32
      %broadcast_in_dim3A_124 = vector.broadcast %broadcast_in_dim3A_123 : i32 to vector<16xi32>
      %add3A_125 = vector.broadcast %mul3A_4 : i32 to vector<16xi32>
      %add3A_126 = arith.addi %broadcast_in_dim3A_124, %add3A_125 : vector<16xi32>
      %swap3A_127 = arith.constant 240 : index
      %swap3A_128 = tpu.vector_load %arg4[%swap3A_127] {strides = array<i32>} : memref<448xi32, #tpu.memory_space<vmem>>, vector<16xi32>,
      %swap3A_129 = vector.shape_cast %swap3A_128 : vector<16xi32> to vector<16xi32>
      %swap3A_130 = vector.shape_cast %add3A_126 : vector<16xi32> to vector<16xi32>
      tpu.vector_store %arg4[%swap3A_127], %swap3A_130 {strides = array<i32>} : memref<448xi32, #tpu.memory_space<vmem>>, vector<16xi32>,
      %broadcast_in_dim3A_131 = arith.constant 4 : i32
      %broadcast_in_dim3A_132 = vector.broadcast %broadcast_in_dim3A_131 : i32 to vector<16xi32>
      %add3A_133 = vector.broadcast %mul3A_4 : i32 to vector<16xi32>
      %add3A_134 = arith.addi %broadcast_in_dim3A_132, %add3A_133 : vector<16xi32>
      %swap3A_135 = arith.constant 256 : index
      %swap3A_136 = tpu.vector_load %arg4[%swap3A_135] {strides = array<i32>} : memref<448xi32, #tpu.memory_space<vmem>>, vector<16xi32>,
      %swap3A_137 = vector.shape_cast %swap3A_136 : vector<16xi32> to vector<16xi32>
      %swap3A_138 = vector.shape_cast %add3A_134 : vector<16xi32> to vector<16xi32>
      tpu.vector_store %arg4[%swap3A_135], %swap3A_138 {strides = array<i32>} : memref<448xi32, #tpu.memory_space<vmem>>, vector<16xi32>,
      %broadcast_in_dim3A_139 = arith.constant 4 : i32
      %broadcast_in_dim3A_140 = vector.broadcast %broadcast_in_dim3A_139 : i32 to vector<16xi32>
      %add3A_141 = vector.broadcast %mul3A_4 : i32 to vector<16xi32>
      %add3A_142 = arith.addi %broadcast_in_dim3A_140, %add3A_141 : vector<16xi32>
      %swap3A_143 = arith.constant 272 : index
      %swap3A_144 = tpu.vector_load %arg4[%swap3A_143] {strides = array<i32>} : memref<448xi32, #tpu.memory_space<vmem>>, vector<16xi32>,
      %swap3A_145 = vector.shape_cast %swap3A_144 : vector<16xi32> to vector<16xi32>
      %swap3A_146 = vector.shape_cast %add3A_142 : vector<16xi32> to vector<16xi32>
      tpu.vector_store %arg4[%swap3A_143], %swap3A_146 {strides = array<i32>} : memref<448xi32, #tpu.memory_space<vmem>>, vector<16xi32>,
      %broadcast_in_dim3A_147 = arith.constant 4 : i32
      %broadcast_in_dim3A_148 = vector.broadcast %broadcast_in_dim3A_147 : i32 to vector<16xi32>
      %add3A_149 = vector.broadcast %mul3A_4 : i32 to vector<16xi32>
      %add3A_150 = arith.addi %broadcast_in_dim3A_148, %add3A_149 : vector<16xi32>
      %swap3A_151 = arith.constant 288 : index
      %swap3A_152 = tpu.vector_load %arg4[%swap3A_151] {strides = array<i32>} : memref<448xi32, #tpu.memory_space<vmem>>, vector<16xi32>,
      %swap3A_153 = vector.shape_cast %swap3A_152 : vector<16xi32> to vector<16xi32>
      %swap3A_154 = vector.shape_cast %add3A_150 : vector<16xi32> to vector<16xi32>
      tpu.vector_store %arg4[%swap3A_151], %swap3A_154 {strides = array<i32>} : memref<448xi32, #tpu.memory_space<vmem>>, vector<16xi32>,
      %broadcast_in_dim3A_155 = arith.constant 4 : i32
      %broadcast_in_dim3A_156 = vector.broadcast %broadcast_in_dim3A_155 : i32 to vector<16xi32>
      %add3A_157 = vector.broadcast %mul3A_4 : i32 to vector<16xi32>
      %add3A_158 = arith.addi %broadcast_in_dim3A_156, %add3A_157 : vector<16xi32>
      %swap3A_159 = arith.constant 304 : index
      %swap3A_160 = tpu.vector_load %arg4[%swap3A_159] {strides = array<i32>} : memref<448xi32, #tpu.memory_space<vmem>>, vector<16xi32>,
      %swap3A_161 = vector.shape_cast %swap3A_160 : vector<16xi32> to vector<16xi32>
      %swap3A_162 = vector.shape_cast %add3A_158 : vector<16xi32> to vector<16xi32>
      tpu.vector_store %arg4[%swap3A_159], %swap3A_162 {strides = array<i32>} : memref<448xi32, #tpu.memory_space<vmem>>, vector<16xi32>,
      %broadcast_in_dim3A_163 = arith.constant 5 : i32
      %broadcast_in_dim3A_164 = vector.broadcast %broadcast_in_dim3A_163 : i32 to vector<16xi32>
      %add3A_165 = vector.broadcast %mul3A_4 : i32 to vector<16xi32>
      %add3A_166 = arith.addi %broadcast_in_dim3A_164, %add3A_165 : vector<16xi32>
      %swap3A_167 = arith.constant 320 : index
      %swap3A_168 = tpu.vector_load %arg4[%swap3A_167] {strides = array<i32>} : memref<448xi32, #tpu.memory_space<vmem>>, vector<16xi32>,
      %swap3A_169 = vector.shape_cast %swap3A_168 : vector<16xi32> to vector<16xi32>
      %swap3A_170 = vector.shape_cast %add3A_166 : vector<16xi32> to vector<16xi32>
      tpu.vector_store %arg4[%swap3A_167], %swap3A_170 {strides = array<i32>} : memref<448xi32, #tpu.memory_space<vmem>>, vector<16xi32>,
      %broadcast_in_dim3A_171 = arith.constant 5 : i32
      %broadcast_in_dim3A_172 = vector.broadcast %broadcast_in_dim3A_171 : i32 to vector<16xi32>
      %add3A_173 = vector.broadcast %mul3A_4 : i32 to vector<16xi32>
      %add3A_174 = arith.addi %broadcast_in_dim3A_172, %add3A_173 : vector<16xi32>
      %swap3A_175 = arith.constant 336 : index
      %swap3A_176 = tpu.vector_load %arg4[%swap3A_175] {strides = array<i32>} : memref<448xi32, #tpu.memory_space<vmem>>, vector<16xi32>,
      %swap3A_177 = vector.shape_cast %swap3A_176 : vector<16xi32> to vector<16xi32>
      %swap3A_178 = vector.shape_cast %add3A_174 : vector<16xi32> to vector<16xi32>
      tpu.vector_store %arg4[%swap3A_175], %swap3A_178 {strides = array<i32>} : memref<448xi32, #tpu.memory_space<vmem>>, vector<16xi32>,
      %broadcast_in_dim3A_179 = arith.constant 5 : i32
      %broadcast_in_dim3A_180 = vector.broadcast %broadcast_in_dim3A_179 : i32 to vector<16xi32>
      %add3A_181 = vector.broadcast %mul3A_4 : i32 to vector<16xi32>
      %add3A_182 = arith.addi %broadcast_in_dim3A_180, %add3A_181 : vector<16xi32>
      %swap3A_183 = arith.constant 352 : index
      %swap3A_184 = tpu.vector_load %arg4[%swap3A_183] {strides = array<i32>} : memref<448xi32, #tpu.memory_space<vmem>>, vector<16xi32>,
      %swap3A_185 = vector.shape_cast %swap3A_184 : vector<16xi32> to vector<16xi32>
      %swap3A_186 = vector.shape_cast %add3A_182 : vector<16xi32> to vector<16xi32>
      tpu.vector_store %arg4[%swap3A_183], %swap3A_186 {strides = array<i32>} : memref<448xi32, #tpu.memory_space<vmem>>, vector<16xi32>,
      %broadcast_in_dim3A_187 = arith.constant 5 : i32
      %broadcast_in_dim3A_188 = vector.broadcast %broadcast_in_dim3A_187 : i32 to vector<16xi32>
      %add3A_189 = vector.broadcast %mul3A_4 : i32 to vector<16xi32>
      %add3A_190 = arith.addi %broadcast_in_dim3A_188, %add3A_189 : vector<16xi32>
      %swap3A_191 = arith.constant 368 : index
      %swap3A_192 = tpu.vector_load %arg4[%swap3A_191] {strides = array<i32>} : memref<448xi32, #tpu.memory_space<vmem>>, vector<16xi32>,
      %swap3A_193 = vector.shape_cast %swap3A_192 : vector<16xi32> to vector<16xi32>
      %swap3A_194 = vector.shape_cast %add3A_190 : vector<16xi32> to vector<16xi32>
      tpu.vector_store %arg4[%swap3A_191], %swap3A_194 {strides = array<i32>} : memref<448xi32, #tpu.memory_space<vmem>>, vector<16xi32>,
      %broadcast_in_dim3A_195 = arith.constant 6 : i32
      %broadcast_in_dim3A_196 = vector.broadcast %broadcast_in_dim3A_195 : i32 to vector<16xi32>
      %add3A_197 = vector.broadcast %mul3A_4 : i32 to vector<16xi32>
      %add3A_198 = arith.addi %broadcast_in_dim3A_196, %add3A_197 : vector<16xi32>
      %swap3A_199 = arith.constant 384 : index
      %swap3A_200 = tpu.vector_load %arg4[%swap3A_199] {strides = array<i32>} : memref<448xi32, #tpu.memory_space<vmem>>, vector<16xi32>,
      %swap3A_201 = vector.shape_cast %swap3A_200 : vector<16xi32> to vector<16xi32>
      %swap3A_202 = vector.shape_cast %add3A_198 : vector<16xi32> to vector<16xi32>
      tpu.vector_store %arg4[%swap3A_199], %swap3A_202 {strides = array<i32>} : memref<448xi32, #tpu.memory_space<vmem>>, vector<16xi32>,
      %broadcast_in_dim3A_203 = arith.constant 6 : i32
      %broadcast_in_dim3A_204 = vector.broadcast %broadcast_in_dim3A_203 : i32 to vector<16xi32>
      %add3A_205 = vector.broadcast %mul3A_4 : i32 to vector<16xi32>
      %add3A_206 = arith.addi %broadcast_in_dim3A_204, %add3A_205 : vector<16xi32>
      %swap3A_207 = arith.constant 400 : index
      %swap3A_208 = tpu.vector_load %arg4[%swap3A_207] {strides = array<i32>} : memref<448xi32, #tpu.memory_space<vmem>>, vector<16xi32>,
      %swap3A_209 = vector.shape_cast %swap3A_208 : vector<16xi32> to vector<16xi32>
      %swap3A_210 = vector.shape_cast %add3A_206 : vector<16xi32> to vector<16xi32>
      tpu.vector_store %arg4[%swap3A_207], %swap3A_210 {strides = array<i32>} : memref<448xi32, #tpu.memory_space<vmem>>, vector<16xi32>,
      %broadcast_in_dim3A_211 = arith.constant 6 : i32
      %broadcast_in_dim3A_212 = vector.broadcast %broadcast_in_dim3A_211 : i32 to vector<16xi32>
      %add3A_213 = vector.broadcast %mul3A_4 : i32 to vector<16xi32>
      %add3A_214 = arith.addi %broadcast_in_dim3A_212, %add3A_213 : vector<16xi32>
      %swap3A_215 = arith.constant 416 : index
      %swap3A_216 = tpu.vector_load %arg4[%swap3A_215] {strides = array<i32>} : memref<448xi32, #tpu.memory_space<vmem>>, vector<16xi32>,
      %swap3A_217 = vector.shape_cast %swap3A_216 : vector<16xi32> to vector<16xi32>
      %swap3A_218 = vector.shape_cast %add3A_214 : vector<16xi32> to vector<16xi32>
      tpu.vector_store %arg4[%swap3A_215], %swap3A_218 {strides = array<i32>} : memref<448xi32, #tpu.memory_space<vmem>>, vector<16xi32>,
      %broadcast_in_dim3A_219 = arith.constant 6 : i32
      %broadcast_in_dim3A_220 = vector.broadcast %broadcast_in_dim3A_219 : i32 to vector<16xi32>
      %add3A_221 = vector.broadcast %mul3A_4 : i32 to vector<16xi32>
      %add3A_222 = arith.addi %broadcast_in_dim3A_220, %add3A_221 : vector<16xi32>
      %swap3A_223 = arith.constant 432 : index
      %swap3A_224 = tpu.vector_load %arg4[%swap3A_223] {strides = array<i32>} : memref<448xi32, #tpu.memory_space<vmem>>, vector<16xi32>,
      %swap3A_225 = vector.shape_cast %swap3A_224 : vector<16xi32> to vector<16xi32>
      %swap3A_226 = vector.shape_cast %add3A_222 : vector<16xi32> to vector<16xi32>
      tpu.vector_store %arg4[%swap3A_223], %swap3A_226 {strides = array<i32>} : memref<448xi32, #tpu.memory_space<vmem>>, vector<16xi32>,
      %dma_start3A = arith.constant 0 : i32
      %dma_start3A_227 = arith.constant 0 : i32
      %dma_start3A_228 = arith.constant 0 : i32
      %dma_start3A_229 = tpu.memref_slice %arg5[%dma_start3A, %dma_start3A_227, %dma_start3A_228] : memref<7x64x256xf32, #tpu.memory_space<vmem>> -> memref<1x64x256xf32, #tpu.memory_space<vmem>>
      %dma_start3A_230 = tpu.memref_squeeze %dma_start3A_229 : memref<1x64x256xf32, #tpu.memory_space<vmem>> -> memref<64x256xf32, #tpu.memory_space<vmem>>
      %dma_start3A_231 = arith.constant 0 : i32
      %dma_start3A_232 = tpu.memref_slice %arg4[%dma_start3A_231] : memref<448xi32, #tpu.memory_space<vmem>> -> memref<64xi32, #tpu.memory_space<vmem>>
      %dma_start3A_233 = arith.constant 0 : i32
      %dma_start3A_234 = arith.constant 0 : i32
      %dma_start3A_235 = tpu.memref_slice %arg2[%dma_start3A_233, %dma_start3A_234] : memref<196x256xf32, #tpu.memory_space<hbm>> -> memref<196x256xf32, #tpu.memory_space<hbm>>
      tpu.enqueue_indirect_dma source(%dma_start3A_235 : memref<196x256xf32, #tpu.memory_space<hbm>>) target(%dma_start3A_230 : memref<64x256xf32, #tpu.memory_space<vmem>>) offsets(%dma_start3A_232 : memref<64xi32, #tpu.memory_space<vmem>>) semaphore(%arg6 : memref<!tpu.dma_semaphore, #tpu.memory_space<semaphore_mem>>)
      %dma_start3A_236 = arith.constant 1 : i32
      %dma_start3A_237 = arith.constant 0 : i32
      %dma_start3A_238 = arith.constant 0 : i32
      %dma_start3A_239 = tpu.memref_slice %arg5[%dma_start3A_236, %dma_start3A_237, %dma_start3A_238] : memref<7x64x256xf32, #tpu.memory_space<vmem>> -> memref<1x64x256xf32, #tpu.memory_space<vmem>>
      %dma_start3A_240 = tpu.memref_squeeze %dma_start3A_239 : memref<1x64x256xf32, #tpu.memory_space<vmem>> -> memref<64x256xf32, #tpu.memory_space<vmem>>
      %dma_start3A_241 = arith.constant 64 : i32
      %dma_start3A_242 = tpu.memref_slice %arg4[%dma_start3A_241] : memref<448xi32, #tpu.memory_space<vmem>> -> memref<64xi32, #tpu.memory_space<vmem>>
      %dma_start3A_243 = arith.constant 0 : i32
      %dma_start3A_244 = arith.constant 0 : i32
      %dma_start3A_245 = tpu.memref_slice %arg2[%dma_start3A_243, %dma_start3A_244] : memref<196x256xf32, #tpu.memory_space<hbm>> -> memref<196x256xf32, #tpu.memory_space<hbm>>
      tpu.enqueue_indirect_dma source(%dma_start3A_245 : memref<196x256xf32, #tpu.memory_space<hbm>>) target(%dma_start3A_240 : memref<64x256xf32, #tpu.memory_space<vmem>>) offsets(%dma_start3A_242 : memref<64xi32, #tpu.memory_space<vmem>>) semaphore(%arg6 : memref<!tpu.dma_semaphore, #tpu.memory_space<semaphore_mem>>)
      %dma_start3A_246 = arith.constant 2 : i32
      %dma_start3A_247 = arith.constant 0 : i32
      %dma_start3A_248 = arith.constant 0 : i32
      %dma_start3A_249 = tpu.memref_slice %arg5[%dma_start3A_246, %dma_start3A_247, %dma_start3A_248] : memref<7x64x256xf32, #tpu.memory_space<vmem>> -> memref<1x64x256xf32, #tpu.memory_space<vmem>>
      %dma_start3A_250 = tpu.memref_squeeze %dma_start3A_249 : memref<1x64x256xf32, #tpu.memory_space<vmem>> -> memref<64x256xf32, #tpu.memory_space<vmem>>
      %dma_start3A_251 = arith.constant 128 : i32
      %dma_start3A_252 = tpu.memref_slice %arg4[%dma_start3A_251] : memref<448xi32, #tpu.memory_space<vmem>> -> memref<64xi32, #tpu.memory_space<vmem>>
      %dma_start3A_253 = arith.constant 0 : i32
      %dma_start3A_254 = arith.constant 0 : i32
      %dma_start3A_255 = tpu.memref_slice %arg2[%dma_start3A_253, %dma_start3A_254] : memref<196x256xf32, #tpu.memory_space<hbm>> -> memref<196x256xf32, #tpu.memory_space<hbm>>
      tpu.enqueue_indirect_dma source(%dma_start3A_255 : memref<196x256xf32, #tpu.memory_space<hbm>>) target(%dma_start3A_250 : memref<64x256xf32, #tpu.memory_space<vmem>>) offsets(%dma_start3A_252 : memref<64xi32, #tpu.memory_space<vmem>>) semaphore(%arg6 : memref<!tpu.dma_semaphore, #tpu.memory_space<semaphore_mem>>)
      %dma_start3A_256 = arith.constant 3 : i32
      %dma_start3A_257 = arith.constant 0 : i32
      %dma_start3A_258 = arith.constant 0 : i32
      %dma_start3A_259 = tpu.memref_slice %arg5[%dma_start3A_256, %dma_start3A_257, %dma_start3A_258] : memref<7x64x256xf32, #tpu.memory_space<vmem>> -> memref<1x64x256xf32, #tpu.memory_space<vmem>>
      %dma_start3A_260 = tpu.memref_squeeze %dma_start3A_259 : memref<1x64x256xf32, #tpu.memory_space<vmem>> -> memref<64x256xf32, #tpu.memory_space<vmem>>
      %dma_start3A_261 = arith.constant 192 : i32
      %dma_start3A_262 = tpu.memref_slice %arg4[%dma_start3A_261] : memref<448xi32, #tpu.memory_space<vmem>> -> memref<64xi32, #tpu.memory_space<vmem>>
      %dma_start3A_263 = arith.constant 0 : i32
      %dma_start3A_264 = arith.constant 0 : i32
      %dma_start3A_265 = tpu.memref_slice %arg2[%dma_start3A_263, %dma_start3A_264] : memref<196x256xf32, #tpu.memory_space<hbm>> -> memref<196x256xf32, #tpu.memory_space<hbm>>
      tpu.enqueue_indirect_dma source(%dma_start3A_265 : memref<196x256xf32, #tpu.memory_space<hbm>>) target(%dma_start3A_260 : memref<64x256xf32, #tpu.memory_space<vmem>>) offsets(%dma_start3A_262 : memref<64xi32, #tpu.memory_space<vmem>>) semaphore(%arg6 : memref<!tpu.dma_semaphore, #tpu.memory_space<semaphore_mem>>)
      %dma_start3A_266 = arith.constant 4 : i32
      %dma_start3A_267 = arith.constant 0 : i32
      %dma_start3A_268 = arith.constant 0 : i32
      %dma_start3A_269 = tpu.memref_slice %arg5[%dma_start3A_266, %dma_start3A_267, %dma_start3A_268] : memref<7x64x256xf32, #tpu.memory_space<vmem>> -> memref<1x64x256xf32, #tpu.memory_space<vmem>>
      %dma_start3A_270 = tpu.memref_squeeze %dma_start3A_269 : memref<1x64x256xf32, #tpu.memory_space<vmem>> -> memref<64x256xf32, #tpu.memory_space<vmem>>
      %dma_start3A_271 = arith.constant 256 : i32
      %dma_start3A_272 = tpu.memref_slice %arg4[%dma_start3A_271] : memref<448xi32, #tpu.memory_space<vmem>> -> memref<64xi32, #tpu.memory_space<vmem>>
      %dma_start3A_273 = arith.constant 0 : i32
      %dma_start3A_274 = arith.constant 0 : i32
      %dma_start3A_275 = tpu.memref_slice %arg2[%dma_start3A_273, %dma_start3A_274] : memref<196x256xf32, #tpu.memory_space<hbm>> -> memref<196x256xf32, #tpu.memory_space<hbm>>
      tpu.enqueue_indirect_dma source(%dma_start3A_275 : memref<196x256xf32, #tpu.memory_space<hbm>>) target(%dma_start3A_270 : memref<64x256xf32, #tpu.memory_space<vmem>>) offsets(%dma_start3A_272 : memref<64xi32, #tpu.memory_space<vmem>>) semaphore(%arg6 : memref<!tpu.dma_semaphore, #tpu.memory_space<semaphore_mem>>)
      %dma_start3A_276 = arith.constant 5 : i32
      %dma_start3A_277 = arith.constant 0 : i32
      %dma_start3A_278 = arith.constant 0 : i32
      %dma_start3A_279 = tpu.memref_slice %arg5[%dma_start3A_276, %dma_start3A_277, %dma_start3A_278] : memref<7x64x256xf32, #tpu.memory_space<vmem>> -> memref<1x64x256xf32, #tpu.memory_space<vmem>>
      %dma_start3A_280 = tpu.memref_squeeze %dma_start3A_279 : memref<1x64x256xf32, #tpu.memory_space<vmem>> -> memref<64x256xf32, #tpu.memory_space<vmem>>
      %dma_start3A_281 = arith.constant 320 : i32
      %dma_start3A_282 = tpu.memref_slice %arg4[%dma_start3A_281] : memref<448xi32, #tpu.memory_space<vmem>> -> memref<64xi32, #tpu.memory_space<vmem>>
      %dma_start3A_283 = arith.constant 0 : i32
      %dma_start3A_284 = arith.constant 0 : i32
      %dma_start3A_285 = tpu.memref_slice %arg2[%dma_start3A_283, %dma_start3A_284] : memref<196x256xf32, #tpu.memory_space<hbm>> -> memref<196x256xf32, #tpu.memory_space<hbm>>
      tpu.enqueue_indirect_dma source(%dma_start3A_285 : memref<196x256xf32, #tpu.memory_space<hbm>>) target(%dma_start3A_280 : memref<64x256xf32, #tpu.memory_space<vmem>>) offsets(%dma_start3A_282 : memref<64xi32, #tpu.memory_space<vmem>>) semaphore(%arg6 : memref<!tpu.dma_semaphore, #tpu.memory_space<semaphore_mem>>)
      %dma_start3A_286 = arith.constant 6 : i32
      %dma_start3A_287 = arith.constant 0 : i32
      %dma_start3A_288 = arith.constant 0 : i32
      %dma_start3A_289 = tpu.memref_slice %arg5[%dma_start3A_286, %dma_start3A_287, %dma_start3A_288] : memref<7x64x256xf32, #tpu.memory_space<vmem>> -> memref<1x64x256xf32, #tpu.memory_space<vmem>>
      %dma_start3A_290 = tpu.memref_squeeze %dma_start3A_289 : memref<1x64x256xf32, #tpu.memory_space<vmem>> -> memref<64x256xf32, #tpu.memory_space<vmem>>
      %dma_start3A_291 = arith.constant 384 : i32
      %dma_start3A_292 = tpu.memref_slice %arg4[%dma_start3A_291] : memref<448xi32, #tpu.memory_space<vmem>> -> memref<64xi32, #tpu.memory_space<vmem>>
      %dma_start3A_293 = arith.constant 0 : i32
      %dma_start3A_294 = arith.constant 0 : i32
      %dma_start3A_295 = tpu.memref_slice %arg2[%dma_start3A_293, %dma_start3A_294] : memref<196x256xf32, #tpu.memory_space<hbm>> -> memref<196x256xf32, #tpu.memory_space<hbm>>
      tpu.enqueue_indirect_dma source(%dma_start3A_295 : memref<196x256xf32, #tpu.memory_space<hbm>>) target(%dma_start3A_290 : memref<64x256xf32, #tpu.memory_space<vmem>>) offsets(%dma_start3A_292 : memref<64xi32, #tpu.memory_space<vmem>>) semaphore(%arg6 : memref<!tpu.dma_semaphore, #tpu.memory_space<semaphore_mem>>)
      %dma_wait3A = arith.constant 0 : i32
      %dma_wait3A_296 = arith.constant 0 : i32
      %dma_wait3A_297 = arith.constant 0 : i32
      %dma_wait3A_298 = tpu.memref_slice %arg5[%dma_wait3A, %dma_wait3A_296, %dma_wait3A_297] : memref<7x64x256xf32, #tpu.memory_space<vmem>> -> memref<1x64x256xf32, #tpu.memory_space<vmem>>
      %dma_wait3A_299 = tpu.memref_squeeze %dma_wait3A_298 : memref<1x64x256xf32, #tpu.memory_space<vmem>> -> memref<64x256xf32, #tpu.memory_space<vmem>>
      %dma_wait3A_300 = arith.constant 0 : i32
      %dma_wait3A_301 = tpu.memref_slice %arg4[%dma_wait3A_300] : memref<448xi32, #tpu.memory_space<vmem>> -> memref<64xi32, #tpu.memory_space<vmem>>
      %dma_wait3A_302 = arith.constant 0 : i32
      %dma_wait3A_303 = arith.constant 0 : i32
      %dma_wait3A_304 = tpu.memref_slice %arg2[%dma_wait3A_302, %dma_wait3A_303] : memref<196x256xf32, #tpu.memory_space<hbm>> -> memref<196x256xf32, #tpu.memory_space<hbm>>
      tpu.wait_indirect_dma semaphore(%arg6 : memref<!tpu.dma_semaphore, #tpu.memory_space<semaphore_mem>>) src(%dma_wait3A_304 : memref<196x256xf32, #tpu.memory_space<hbm>>) dst(%dma_wait3A_299 : memref<64x256xf32, #tpu.memory_space<vmem>>)
      %dma_wait3A_305 = arith.constant 1 : i32
      %dma_wait3A_306 = arith.constant 0 : i32
      %dma_wait3A_307 = arith.constant 0 : i32
      %dma_wait3A_308 = tpu.memref_slice %arg5[%dma_wait3A_305, %dma_wait3A_306, %dma_wait3A_307] : memref<7x64x256xf32, #tpu.memory_space<vmem>> -> memref<1x64x256xf32, #tpu.memory_space<vmem>>
      %dma_wait3A_309 = tpu.memref_squeeze %dma_wait3A_308 : memref<1x64x256xf32, #tpu.memory_space<vmem>> -> memref<64x256xf32, #tpu.memory_space<vmem>>
      %dma_wait3A_310 = arith.constant 64 : i32
      %dma_wait3A_311 = tpu.memref_slice %arg4[%dma_wait3A_310] : memref<448xi32, #tpu.memory_space<vmem>> -> memref<64xi32, #tpu.memory_space<vmem>>
      %dma_wait3A_312 = arith.constant 0 : i32
      %dma_wait3A_313 = arith.constant 0 : i32
      %dma_wait3A_314 = tpu.memref_slice %arg2[%dma_wait3A_312, %dma_wait3A_313] : memref<196x256xf32, #tpu.memory_space<hbm>> -> memref<196x256xf32, #tpu.memory_space<hbm>>
      tpu.wait_indirect_dma semaphore(%arg6 : memref<!tpu.dma_semaphore, #tpu.memory_space<semaphore_mem>>) src(%dma_wait3A_314 : memref<196x256xf32, #tpu.memory_space<hbm>>) dst(%dma_wait3A_309 : memref<64x256xf32, #tpu.memory_space<vmem>>)
      %dma_wait3A_315 = arith.constant 2 : i32
      %dma_wait3A_316 = arith.constant 0 : i32
      %dma_wait3A_317 = arith.constant 0 : i32
      %dma_wait3A_318 = tpu.memref_slice %arg5[%dma_wait3A_315, %dma_wait3A_316, %dma_wait3A_317] : memref<7x64x256xf32, #tpu.memory_space<vmem>> -> memref<1x64x256xf32, #tpu.memory_space<vmem>>
      %dma_wait3A_319 = tpu.memref_squeeze %dma_wait3A_318 : memref<1x64x256xf32, #tpu.memory_space<vmem>> -> memref<64x256xf32, #tpu.memory_space<vmem>>
      %dma_wait3A_320 = arith.constant 128 : i32
      %dma_wait3A_321 = tpu.memref_slice %arg4[%dma_wait3A_320] : memref<448xi32, #tpu.memory_space<vmem>> -> memref<64xi32, #tpu.memory_space<vmem>>
      %dma_wait3A_322 = arith.constant 0 : i32
      %dma_wait3A_323 = arith.constant 0 : i32
      %dma_wait3A_324 = tpu.memref_slice %arg2[%dma_wait3A_322, %dma_wait3A_323] : memref<196x256xf32, #tpu.memory_space<hbm>> -> memref<196x256xf32, #tpu.memory_space<hbm>>
      tpu.wait_indirect_dma semaphore(%arg6 : memref<!tpu.dma_semaphore, #tpu.memory_space<semaphore_mem>>) src(%dma_wait3A_324 : memref<196x256xf32, #tpu.memory_space<hbm>>) dst(%dma_wait3A_319 : memref<64x256xf32, #tpu.memory_space<vmem>>)
      %dma_wait3A_325 = arith.constant 3 : i32
      %dma_wait3A_326 = arith.constant 0 : i32
      %dma_wait3A_327 = arith.constant 0 : i32
      %dma_wait3A_328 = tpu.memref_slice %arg5[%dma_wait3A_325, %dma_wait3A_326, %dma_wait3A_327] : memref<7x64x256xf32, #tpu.memory_space<vmem>> -> memref<1x64x256xf32, #tpu.memory_space<vmem>>
      %dma_wait3A_329 = tpu.memref_squeeze %dma_wait3A_328 : memref<1x64x256xf32, #tpu.memory_space<vmem>> -> memref<64x256xf32, #tpu.memory_space<vmem>>
      %dma_wait3A_330 = arith.constant 192 : i32
      %dma_wait3A_331 = tpu.memref_slice %arg4[%dma_wait3A_330] : memref<448xi32, #tpu.memory_space<vmem>> -> memref<64xi32, #tpu.memory_space<vmem>>
      %dma_wait3A_332 = arith.constant 0 : i32
      %dma_wait3A_333 = arith.constant 0 : i32
      %dma_wait3A_334 = tpu.memref_slice %arg2[%dma_wait3A_332, %dma_wait3A_333] : memref<196x256xf32, #tpu.memory_space<hbm>> -> memref<196x256xf32, #tpu.memory_space<hbm>>
      tpu.wait_indirect_dma semaphore(%arg6 : memref<!tpu.dma_semaphore, #tpu.memory_space<semaphore_mem>>) src(%dma_wait3A_334 : memref<196x256xf32, #tpu.memory_space<hbm>>) dst(%dma_wait3A_329 : memref<64x256xf32, #tpu.memory_space<vmem>>)
      %dma_wait3A_335 = arith.constant 4 : i32
      %dma_wait3A_336 = arith.constant 0 : i32
      %dma_wait3A_337 = arith.constant 0 : i32
      %dma_wait3A_338 = tpu.memref_slice %arg5[%dma_wait3A_335, %dma_wait3A_336, %dma_wait3A_337] : memref<7x64x256xf32, #tpu.memory_space<vmem>> -> memref<1x64x256xf32, #tpu.memory_space<vmem>>
      %dma_wait3A_339 = tpu.memref_squeeze %dma_wait3A_338 : memref<1x64x256xf32, #tpu.memory_space<vmem>> -> memref<64x256xf32, #tpu.memory_space<vmem>>
      %dma_wait3A_340 = arith.constant 256 : i32
      %dma_wait3A_341 = tpu.memref_slice %arg4[%dma_wait3A_340] : memref<448xi32, #tpu.memory_space<vmem>> -> memref<64xi32, #tpu.memory_space<vmem>>
      %dma_wait3A_342 = arith.constant 0 : i32
      %dma_wait3A_343 = arith.constant 0 : i32
      %dma_wait3A_344 = tpu.memref_slice %arg2[%dma_wait3A_342, %dma_wait3A_343] : memref<196x256xf32, #tpu.memory_space<hbm>> -> memref<196x256xf32, #tpu.memory_space<hbm>>
      tpu.wait_indirect_dma semaphore(%arg6 : memref<!tpu.dma_semaphore, #tpu.memory_space<semaphore_mem>>) src(%dma_wait3A_344 : memref<196x256xf32, #tpu.memory_space<hbm>>) dst(%dma_wait3A_339 : memref<64x256xf32, #tpu.memory_space<vmem>>)
      %dma_wait3A_345 = arith.constant 5 : i32
      %dma_wait3A_346 = arith.constant 0 : i32
      %dma_wait3A_347 = arith.constant 0 : i32
      %dma_wait3A_348 = tpu.memref_slice %arg5[%dma_wait3A_345, %dma_wait3A_346, %dma_wait3A_347] : memref<7x64x256xf32, #tpu.memory_space<vmem>> -> memref<1x64x256xf32, #tpu.memory_space<vmem>>
      %dma_wait3A_349 = tpu.memref_squeeze %dma_wait3A_348 : memref<1x64x256xf32, #tpu.memory_space<vmem>> -> memref<64x256xf32, #tpu.memory_space<vmem>>
      %dma_wait3A_350 = arith.constant 320 : i32
      %dma_wait3A_351 = tpu.memref_slice %arg4[%dma_wait3A_350] : memref<448xi32, #tpu.memory_space<vmem>> -> memref<64xi32, #tpu.memory_space<vmem>>
      %dma_wait3A_352 = arith.constant 0 : i32
      %dma_wait3A_353 = arith.constant 0 : i32
      %dma_wait3A_354 = tpu.memref_slice %arg2[%dma_wait3A_352, %dma_wait3A_353] : memref<196x256xf32, #tpu.memory_space<hbm>> -> memref<196x256xf32, #tpu.memory_space<hbm>>
      tpu.wait_indirect_dma semaphore(%arg6 : memref<!tpu.dma_semaphore, #tpu.memory_space<semaphore_mem>>) src(%dma_wait3A_354 : memref<196x256xf32, #tpu.memory_space<hbm>>) dst(%dma_wait3A_349 : memref<64x256xf32, #tpu.memory_space<vmem>>)
      %dma_wait3A_355 = arith.constant 6 : i32
      %dma_wait3A_356 = arith.constant 0 : i32
      %dma_wait3A_357 = arith.constant 0 : i32
      %dma_wait3A_358 = tpu.memref_slice %arg5[%dma_wait3A_355, %dma_wait3A_356, %dma_wait3A_357] : memref<7x64x256xf32, #tpu.memory_space<vmem>> -> memref<1x64x256xf32, #tpu.memory_space<vmem>>
      %dma_wait3A_359 = tpu.memref_squeeze %dma_wait3A_358 : memref<1x64x256xf32, #tpu.memory_space<vmem>> -> memref<64x256xf32, #tpu.memory_space<vmem>>
      %dma_wait3A_360 = arith.constant 384 : i32
      %dma_wait3A_361 = tpu.memref_slice %arg4[%dma_wait3A_360] : memref<448xi32, #tpu.memory_space<vmem>> -> memref<64xi32, #tpu.memory_space<vmem>>
      %dma_wait3A_362 = arith.constant 0 : i32
      %dma_wait3A_363 = arith.constant 0 : i32
      %dma_wait3A_364 = tpu.memref_slice %arg2[%dma_wait3A_362, %dma_wait3A_363] : memref<196x256xf32, #tpu.memory_space<hbm>> -> memref<196x256xf32, #tpu.memory_space<hbm>>
      tpu.wait_indirect_dma semaphore(%arg6 : memref<!tpu.dma_semaphore, #tpu.memory_space<semaphore_mem>>) src(%dma_wait3A_364 : memref<196x256xf32, #tpu.memory_space<hbm>>) dst(%dma_wait3A_359 : memref<64x256xf32, #tpu.memory_space<vmem>>)
      "tpu.region"() ({
        %run_scoped3A = tpu.sem_alloc : memref<!tpu.dma_semaphore, #tpu.memory_space<semaphore_mem>>
        %dma_start3A_365 = arith.constant 0 : i32
        %dma_start3A_366 = arith.constant 0 : i32
        %dma_start3A_367 = tpu.memref_slice %arg3[%mul3A_4, %dma_start3A_365, %dma_start3A_366] : memref<196x64x256xf32, #tpu.memory_space<hbm>> -> memref<7x64x256xf32, #tpu.memory_space<hbm>>
        %dma_start3A_368 = arith.constant 0 : i32
        %dma_start3A_369 = arith.constant 0 : i32
        %dma_start3A_370 = tpu.memref_slice %arg3[%mul3A_4, %dma_start3A_368, %dma_start3A_369] : memref<196x64x256xf32, #tpu.memory_space<hbm>> -> memref<7x64x256xf32, #tpu.memory_space<hbm>>
        tpu.enqueue_dma source(%arg5 : memref<7x64x256xf32, #tpu.memory_space<vmem>>) target(%dma_start3A_370 : memref<7x64x256xf32, #tpu.memory_space<hbm>>) target_semaphore(%run_scoped3A : memref<!tpu.dma_semaphore, #tpu.memory_space<semaphore_mem>>)
        %dma_wait3A_371 = arith.constant 0 : i32
        %dma_wait3A_372 = arith.constant 0 : i32
        %dma_wait3A_373 = tpu.memref_slice %arg3[%mul3A_4, %dma_wait3A_371, %dma_wait3A_372] : memref<196x64x256xf32, #tpu.memory_space<hbm>> -> memref<7x64x256xf32, #tpu.memory_space<hbm>>
        %dma_wait3A_374 = arith.constant 0 : i32
        %dma_wait3A_375 = arith.constant 0 : i32
        %dma_wait3A_376 = tpu.memref_slice %arg3[%mul3A_4, %dma_wait3A_374, %dma_wait3A_375] : memref<196x64x256xf32, #tpu.memory_space<hbm>> -> memref<7x64x256xf32, #tpu.memory_space<hbm>>
        tpu.wait_dma2 semaphore(%run_scoped3A : memref<!tpu.dma_semaphore, #tpu.memory_space<semaphore_mem>>) src(%arg5 : memref<7x64x256xf32, #tpu.memory_space<vmem>>) dst(%dma_wait3A_376 : memref<7x64x256xf32, #tpu.memory_space<hbm>>)
        tpu.yield
      }) : () -> ()
    } else {
    }
    return
  }
}

module attributes {stable_mosaic.version = 14 : i64} {
  func.func @_panel_kernel(%arg0: memref<15x128xf32, #tpu.memory_space<vmem>>, %arg1: memref<15x128xf32, #tpu.memory_space<vmem>>, %arg2: memref<196x256xf32, #tpu.memory_space<vmem>>) attributes {dimension_semantics = [], scalar_prefetch = 0 : i64, scratch_operands = 0 : i64, tpu.core_type = #tpu.core_type<tc>} {
    %iota3A = tpu.iota {dimensions = array<i32: 0>} : vector<196x14xi32>
    %iota3A_0 = tpu.iota {dimensions = array<i32: 1>} : vector<196x14xi32>
    %jit3A = arith.constant 14 : i32
    %eq3A = arith.constant 0 : i32
    %eq3A_1 = arith.cmpi eq, %jit3A, %eq3A : i32
    %jit3A_2 = arith.constant 1 : i32
    %select_n3A = arith.select %eq3A_1, %jit3A_2, %jit3A : i32
    %rem3A = vector.broadcast %select_n3A : i32 to vector<196x14xi32>
    %rem3A_3 = arith.remsi %iota3A, %rem3A : vector<196x14xi32>
    %ne3A = arith.constant 0 : i32
    %ne3A_4 = vector.broadcast %ne3A : i32 to vector<196x14xi32>
    %ne3A_5 = arith.cmpi ne, %rem3A_3, %ne3A_4 : vector<196x14xi32>
    %lt3A = arith.constant 0 : i32
    %lt3A_6 = vector.broadcast %lt3A : i32 to vector<196x14xi32>
    %lt3A_7 = arith.cmpi slt, %rem3A_3, %lt3A_6 : vector<196x14xi32>
    %lt3A_8 = arith.constant 0 : i32
    %lt3A_9 = arith.cmpi slt, %select_n3A, %lt3A_8 : i32
    %ne3A_10 = vector.broadcast %lt3A_9 : i1 to vector<196x14xi1>
    %ne3A_11 = vector.broadcast %ne3A_10 : vector<196x14xi1> to vector<196x14xi1>
    %ne3A_12 = arith.xori %lt3A_7, %ne3A_11 : vector<196x14xi1>
    %and3A = arith.andi %ne3A_12, %ne3A_5 : vector<196x14xi1>
    %add3A = vector.broadcast %select_n3A : i32 to vector<196x14xi32>
    %add3A_13 = arith.addi %rem3A_3, %add3A : vector<196x14xi32>
    %select_n3A_14 = arith.select %and3A, %add3A_13, %rem3A_3 : vector<196x14xi1>, vector<196x14xi32>
    %eq3A_15 = arith.cmpi eq, %select_n3A_14, %iota3A_0 : vector<196x14xi32>
    %convert_element_type3A = arith.extui %eq3A_15 : vector<196x14xi1> to vector<196x14xi32>
    %convert_element_type3A_16 = arith.sitofp %convert_element_type3A : vector<196x14xi32> to vector<196x14xf32>
    %jit3A_17 = arith.constant 14 : i32
    %div3A = vector.broadcast %jit3A_17 : i32 to vector<196x14xi32>
    %div3A_18 = arith.divsi %iota3A, %div3A : vector<196x14xi32>
    %sign3A = arith.constant 0 : i32
    %sign3A_19 = vector.broadcast %sign3A : i32 to vector<196x14xi32>
    %sign3A_20 = arith.cmpi sgt, %iota3A, %sign3A_19 : vector<196x14xi32>
    %sign3A_21 = arith.extui %sign3A_20 : vector<196x14xi1> to vector<196x14xi32>
    %sign3A_22 = arith.constant 0 : i32
    %sign3A_23 = vector.broadcast %sign3A_22 : i32 to vector<196x14xi32>
    %sign3A_24 = arith.cmpi slt, %iota3A, %sign3A_23 : vector<196x14xi32>
    %sign3A_25 = arith.extui %sign3A_24 : vector<196x14xi1> to vector<196x14xi32>
    %sign3A_26 = arith.subi %sign3A_21, %sign3A_25 : vector<196x14xi32>
    %sign3A_27 = arith.constant 0 : i32
    %sign3A_28 = arith.cmpi sgt, %jit3A_17, %sign3A_27 : i32
    %sign3A_29 = arith.extui %sign3A_28 : i1 to i32
    %sign3A_30 = arith.constant 0 : i32
    %sign3A_31 = arith.cmpi slt, %jit3A_17, %sign3A_30 : i32
    %sign3A_32 = arith.extui %sign3A_31 : i1 to i32
    %sign3A_33 = arith.subi %sign3A_29, %sign3A_32 : i32
    %ne3A_34 = vector.broadcast %sign3A_33 : i32 to vector<196x14xi32>
    %ne3A_35 = arith.cmpi ne, %sign3A_26, %ne3A_34 : vector<196x14xi32>
    %rem3A_36 = vector.broadcast %jit3A_17 : i32 to vector<196x14xi32>
    %rem3A_37 = arith.remsi %iota3A, %rem3A_36 : vector<196x14xi32>
    %ne3A_38 = arith.constant 0 : i32
    %ne3A_39 = vector.broadcast %ne3A_38 : i32 to vector<196x14xi32>
    %ne3A_40 = arith.cmpi ne, %rem3A_37, %ne3A_39 : vector<196x14xi32>
    %and3A_41 = arith.andi %ne3A_35, %ne3A_40 : vector<196x14xi1>
    %sub3A = arith.constant 1 : i32
    %sub3A_42 = vector.broadcast %sub3A : i32 to vector<196x14xi32>
    %sub3A_43 = arith.subi %div3A_18, %sub3A_42 : vector<196x14xi32>
    %select_n3A_44 = arith.select %and3A_41, %sub3A_43, %div3A_18 : vector<196x14xi1>, vector<196x14xi32>
    %eq3A_45 = arith.cmpi eq, %select_n3A_44, %iota3A_0 : vector<196x14xi32>
    %convert_element_type3A_46 = arith.extui %eq3A_45 : vector<196x14xi1> to vector<196x14xi32>
    %convert_element_type3A_47 = arith.sitofp %convert_element_type3A_46 : vector<196x14xi32> to vector<196x14xf32>
    %get3A = arith.constant 0 : index
    %get3A_48 = arith.constant 0 : index
    %get3A_49 = vector.load %arg1[%get3A, %get3A_48] : memref<15x128xf32, #tpu.memory_space<vmem>>, vector<14x128xf32>
    %dot_general3A = arith.constant dense<0.000000e+00> : vector<196x128xf32>
    %dot_general3A_50 = tpu.matmul %convert_element_type3A_16, %get3A_49, %dot_general3A {dimension_numbers = #tpu.dot_dimension_numbers<[1], [0], [0], [1], [0, 0, 1, 1], [], []>, precision = #tpu.contract_precision<fp32>, transpose_lhs_hint = false} : vector<196x14xf32>, vector<14x128xf32>, vector<196x128xf32> -> vector<196x128xf32>
    %swap3A = arith.constant 0 : index
    %swap3A_51 = arith.constant 0 : index
    %swap3A_52 = vector.load %arg2[%swap3A, %swap3A_51] : memref<196x256xf32, #tpu.memory_space<vmem>>, vector<196x128xf32>
    tpu.vector_store %arg2[%swap3A, %swap3A_51], %dot_general3A_50 {strides = array<i32>} : memref<196x256xf32, #tpu.memory_space<vmem>>, vector<196x128xf32>,
    %get3A_53 = arith.constant 0 : index
    %get3A_54 = arith.constant 0 : index
    %get3A_55 = vector.load %arg0[%get3A_53, %get3A_54] : memref<15x128xf32, #tpu.memory_space<vmem>>, vector<14x128xf32>
    %dot_general3A_56 = arith.constant dense<0.000000e+00> : vector<196x128xf32>
    %dot_general3A_57 = tpu.matmul %convert_element_type3A_47, %get3A_55, %dot_general3A_56 {dimension_numbers = #tpu.dot_dimension_numbers<[1], [0], [0], [1], [0, 0, 1, 1], [], []>, precision = #tpu.contract_precision<fp32>, transpose_lhs_hint = false} : vector<196x14xf32>, vector<14x128xf32>, vector<196x128xf32> -> vector<196x128xf32>
    %swap3A_58 = arith.constant 0 : index
    %swap3A_59 = arith.constant 128 : index
    %swap3A_60 = vector.load %arg2[%swap3A_58, %swap3A_59] : memref<196x256xf32, #tpu.memory_space<vmem>>, vector<196x128xf32>
    tpu.vector_store %arg2[%swap3A_58, %swap3A_59], %dot_general3A_57 {strides = array<i32>} : memref<196x256xf32, #tpu.memory_space<vmem>>, vector<196x128xf32>,
    return
  }
}

</mosaic_0001>

<sc_bundles>
// kernel: kernel.4.cloned.1.call-start
scs
__scs_entry_jumppad:
0x0: {  	(pc) =	sbr.rel $0x88, $3  }
0x1: {  	(tag) =	ssettag $0x0;
	lr =	simm.s32 $0x1  }
0x2: {  	[smem:$0x3F9F] =	sst lr;
	_ =	strace $0xD0000000  }
0x3: {  	_ = 	snop  }
0x4: {  	_ = 	snop  }
0x5: {  	_ = 	snop  }
0x6: {  	_ = 	snop  }
0x7: {  	_ = 	snop  }
__scs_overlays_trampoline_lowered:
0x8: {  	[smem:$0x3FAE] =	sst s0  }
0x9: {  	[smem:$0x3FAF] =	sst s1  }
0xa: {  	[smem:$0x3FB0] =	sst s2  }
0xb: {  	[smem:$0x3FB1] =	sst s3  }
0xc: {  	[smem:$0x3FB2] =	sst s4  }
0xd: {  	[smem:$0x3FB3] =	sst s5  }
0xe: {  	[smem:$0x3FB4] =	sst s6  }
0xf: {  	[smem:$0x3FB5] =	sst s7  }
0x10: {  	[smem:$0x3FB6] =	sst s8  }
0x11: {  	[smem:$0x3FB7] =	sst s9;
	s0 =	simm.s32 @!p0 $0x0  }
0x12: {  	s1 =	sld [smem:$0x3F9D];
	s0 =	simm.s32 @p0 $0x1  }
0x13: {  	[smem:$0x3FB8] =	sst s0;
	s0 =	simm.s32 @!p1 $0x0  }
0x14: {  	s2 =	sld [smem:$0x3F9C];
	s0 =	simm.s32 @p1 $0x1  }
0x15: {  	[smem:$0x3FB9] =	sst s0;
	s0 =	simm.s32 @!p2 $0x0  }
0x16: {  	s3 =	sld [smem:$0x3FDB];
	s0 =	simm.s32 @p2 $0x1  }
0x17: {  	s4 =	simm.s32 $0x1BF5;
	[smem:$0x3FBB] =	sst s0  }
0x18: {  	s0 =	sld [smem:$0x3F9E];
	_ =	swait.ge [sflag:s4], $0x0  }
0x19: {  	s7 =	sld [smem:$0x3F9F]  }
0x1a: {  	s8 =	sadd.s32 $0xFFFFE003, lr  }
0x1b: {  	s9 =	sadd.s32 $0xFFFFFEF7, lr;
	s5 =	simm.s32 $0xFFFFFFFF;
	p2 =	slt.u32 s8, $0xFFFFF086  }
0x1c: {  	p1 =	slt.u32 s9, $0xF7A;
	s5 =	simm.s32 @!p2 $0x0  }
0x1d: {  	s5 =	simm.s32 @p1 $0x1;
	p0 =	seq.s32 s7, s2  }
0x1e: {  	s7 =	smul.u32 @!p0 $0xF7A, s2;
	p2 =	seq.s32 @!p0 s5, $0x0  }
0x1f: {  	s9 =	smul.u32 $0xF7A, s1;
	s8 =	simm.s32 @!p0 $0x1BF5;
	p2 =	por !p2, p0  }
0x20: {  	[sflag:s8] =	ssyncset.s32 @!p0 $0xFFFFF086;
	s6 =	sadd.s32 @!p0 s3, s7;
	s7 =	simm.s32 @!p0 $0x108  }
0x21: {  	s3 =	sadd.s32 s3, s9;
	s6 =	sadd.s32 @!p0 $0x88, s6;
	s7 =	simm.s32 @p2 $0x1082  }
0x22: {  	[simem:s7], [sflag:s8] =	dma.local @!p0 [hbm:s6], $0xF7A  }
0x23: {  	s9 =	sor.u32 $0xD0000000, s2;
	s6 =	simm.s32 $0x108;
	_ =	swait.ge @!p0 [sflag:s8], $0x0  }
0x24: {  	s3 =	sadd.s32 $0x88, s3;
	s6 =	simm.s32 @!p1 $0x1082;
	[sflag:s4] =	ssyncset.s32 $0xFFFFF086  }
0x25: {  	[simem:s6], [sflag:s4] =	dma.local [hbm:s3], $0xF7A  }
0x26: {  	[smem:$0x3F9F] =	sst s1;
	(tag) =	ssettag s2;
	_ =	strace s9  }
0x27: {  	s1 =	sld [smem:$0x3FAF]  }
0x28: {  	s2 =	sld [smem:$0x3FB0]  }
0x29: {  	s4 =	sld [smem:$0x3FB2]  }
0x2a: {  	p0 =	seq.s32 s5, $0x0;
	s5 =	sld [smem:$0x3FB3]  }
0x2b: {  	s6 =	sld [smem:$0x3FB4]  }
0x2c: {  	s7 =	sld [smem:$0x3FB5]  }
0x2d: {  	s3 =	simm.s32 $0x108;
	s8 =	sld [smem:$0x3FB6]  }
0x2e: {  	s3 =	simm.s32 @!p0 $0x1082;
	s9 =	sld [smem:$0x3FB7]  }
0x2f: {  	lr =	sadd.s32 s0, s3;
	s0 =	sld [smem:$0x3FAE]  }
0x30: {  	s3 =	sld [smem:$0x3FB1]  }
0x31: {  	[smem:$0x3FBA] =	sst s10  }
0x32: {  	s10 =	sld [smem:$0x3FB8];
	_ =	sdelay $0x3  }
0x33: {  	p0 =	seq.s32 s10, $0x1;
	s10 =	sld [smem:$0x3FBA];
	_ =	sdelay $0x3  }
0x34: {  	[smem:$0x3FBA] =	sst s10  }
0x35: {  	s10 =	sld [smem:$0x3FB9];
	_ =	sdelay $0x3  }
0x36: {  	p1 =	seq.s32 s10, $0x1;
	s10 =	sld [smem:$0x3FBA];
	_ =	sdelay $0x3  }
0x37: {  	[smem:$0x3FBA] =	sst s10  }
0x38: {  	s10 =	sld [smem:$0x3FBB]  }
0x39: {  	_ = 	snop;
	(pc) =	sbr.ind lr, $3  }
0x3a: {  	_ = 	snop  }
0x3b: {  	_ = 	snop  }
0x3c: {  	p2 =	seq.s32 s10, $0x1;
	s10 =	sld [smem:$0x3FBA]  }
0x3d: {  	_ =	shalt  }
0x3e: {  	_ =	shalt  }
0x3f: {  	_ =	shalt  }
0x40: {  	_ =	shalt  }
0x41: {  	_ =	shalt  }
0x42: {  	_ =	shalt  }
0x43: {  	_ =	shalt  }
0x44: {  	_ =	shalt  }
0x45: {  	_ =	shalt  }
0x46: {  	_ =	shalt  }
0x47: {  	_ =	shalt  }
0x48: {  	_ =	shalt  }
0x49: {  	_ =	shalt  }
0x4a: {  	_ =	shalt  }
0x4b: {  	_ =	shalt  }
0x4c: {  	_ =	shalt  }
0x4d: {  	_ =	shalt  }
0x4e: {  	_ =	shalt  }
0x4f: {  	_ =	shalt  }
0x50: {  	_ =	shalt  }
0x51: {  	_ =	shalt  }
0x52: {  	_ =	shalt  }
0x53: {  	_ =	shalt  }
0x54: {  	_ =	shalt  }
0x55: {  	_ =	shalt  }
0x56: {  	_ =	shalt  }
0x57: {  	_ =	shalt  }
0x58: {  	_ =	shalt  }
0x59: {  	_ =	shalt  }
0x5a: {  	_ =	shalt  }
0x5b: {  	_ =	shalt  }
0x5c: {  	_ =	shalt  }
0x5d: {  	_ =	shalt  }
0x5e: {  	_ =	shalt  }
0x5f: {  	_ =	shalt  }
0x60: {  	_ =	shalt  }
0x61: {  	_ =	shalt  }
0x62: {  	_ =	shalt  }
0x63: {  	_ =	shalt  }
0x64: {  	_ =	shalt  }
0x65: {  	_ =	shalt  }
0x66: {  	_ =	shalt  }
0x67: {  	_ =	shalt  }
0x68: {  	_ =	shalt  }
0x69: {  	_ =	shalt  }
0x6a: {  	_ =	shalt  }
0x6b: {  	_ =	shalt  }
0x6c: {  	_ =	shalt  }
0x6d: {  	_ =	shalt  }
0x6e: {  	_ =	shalt  }
0x6f: {  	_ =	shalt  }
0x70: {  	_ =	shalt  }
0x71: {  	_ =	shalt  }
0x72: {  	_ =	shalt  }
0x73: {  	_ =	shalt  }
0x74: {  	_ =	shalt  }
0x75: {  	_ =	shalt  }
0x76: {  	_ =	shalt  }
0x77: {  	_ =	shalt  }
0x78: {  	_ =	shalt  }
0x79: {  	_ =	shalt  }
0x7a: {  	_ =	shalt  }
0x7b: {  	_ =	shalt  }
0x7c: {  	_ =	shalt  }
0x7d: {  	_ =	shalt  }
0x7e: {  	_ =	shalt  }
0x7f: {  	_ =	shalt  }
0x80: {  	_ =	shalt  }
0x81: {  	_ =	shalt  }
0x82: {  	_ =	shalt  }
0x83: {  	_ =	shalt  }
0x84: {  	_ =	shalt  }
0x85: {  	_ =	shalt  }
0x86: {  	_ =	shalt  }
0x87: {  	_ =	shalt  }
.Lfunc_end0:
.L_simem_size_0:
called_computation_lowered:
.L_overlay_start_0:
0x88: {  	s2 =	sld [smem:$0x3FD9]  }
0x89: {  	s3 =	sld [smem:$0x3FFE];
	_ =	sdelay $0x1  }
0x8a: {  	s1 =	srdreg.scid  }
0x8b: {  	s0 =	sand.u32 $0x1, s1  }
0x8c: {  	s17 =	sshll.u32 s0, $0xA;
	s2 =	sadd.s32 s3, s2  }
0x8d: {  	s2 =	sadd.s32 s2, s17  }
0x8e: {  	[smem:$0x3FC6] =	sst s2  }
0x8f: {  	_ = 	snop  }
0x90: {  	s2 =	sld [smem:$0x3FD0];
	(tm) =	ssettm $0x1  }
0x91: {  	s18 =	sld [smem:$0x3FFB];
	_ =	sdelay $0x3  }
0x92: {  	_ =	strace s18  }
0x93: {  	s3 =	sld [smem:$0x3FFC];
	_ =	sdelay $0x3  }
0x94: {  	_ =	strace s3  }
0x95: {  	s3 =	sld [smem:$0x3FFD];
	_ =	sdelay $0x3  }
0x96: {  	_ =	strace s3  }
0x97: {  	_ =	strace $0x8FFFFFFF  }
0x98: {  	s19 =	sld [smem:$0x3FDB];
	_ =	sdelay $0x1  }
0x99: {  	s4 =	simm.s32 $_scs_section_size  }
0x9a: {  	s5 =	simm.s32 $_size__tile_overlayer_lowered;
	s6 =	simm.s32 $_tile_overlayer_lowered  }
0x9b: {  	s22 =	simm.s32 $0x1BFF;
	s21 =	sshll.u32 s6, $0x1;
	s3 =	sadd.s32 s4, s19  }
0x9c: {  	s7 =	simm.s32 $0x0;
	s20 =	sshll.u32 s5, $0x1;
	s5 =	sadd.s32 s21, s3  }
0x9d: {  	[timem:s7], [sflag:s22] =	dma.local [hbm:s5], s20  }
0x9e: {  	_ =	swait.ge [sflag:s22], s20  }
0x9f: {  	s4 =	ssub.s32 $0x0, s20;
	[sflag:s22] =	ssyncset.done $0x0  }
0xa0: {  	[sflag:s22] =	ssyncadd.s32 s4;
	_ =	sdelay $0x1  }
0xa1: {  	s23 =	simm.s32 $0x1B8B  }
0xa2: {  	_ =	swait.ge [sflag:s23], $0x1  }
0xa3: {  	[sflag:s23] =	ssyncset.done $0x0  }
0xa4: {  	s25 =	simm.s32 $0x1B8E;
	s24 =	sld [smem:$0x3FFE];
	[sflag:s23] =	ssyncadd.s32 $0xFFFFFFFF  }
0xa5: {  	s26 =	simm.s32 $execute0_lowered;
	[smem:$0x3FD2] =	sst s25  }
0xa6: {  	s5 =	sshll.u32 s26, $0x1;
	_ =	strace $0x80000046;
	[dreg:$0x1] =	wrdreg $0xFFFFFFFF  }
0xa7: {  	s28 =	simm.s32 $_size_execute0_lowered;
	s3 =	sadd.s32 s3, s5;
	[dreg:$0x0] =	wrdreg $0x0  }
0xa8: {  	s5 =	sshll.u32 s28, $0x1;
	[dreg:$0x2] =	wrdreg s3  }
0xa9: {  	[dreg:$0x3] =	wrdreg s5  }
0xaa: {  	[dreg:$0x4] =	wrdreg $0xC0  }
0xab: {  	_ =	task [dreg:s7], $0x5FFFF  }
0xac: {  	[dreg:$0x1] =	wrdreg $0xFFFFFFFF  }
0xad: {  	[dreg:$0x0] =	wrdreg $0x60  }
0xae: {  	[dreg:$0x2] =	wrdreg s24  }
0xaf: {  	[dreg:$0x3] =	wrdreg s2  }
0xb0: {  	[dreg:$0x4] =	wrdreg $0x9  }
0xb1: {  	_ =	task.clear_ibuf [dreg:s7], $0x5FFFF;
	_ =	strace $0x90000046  }
0xb2: {  	s29 =	simm.s32 $0x9;
	_ =	strace $0x80000048  }
0xb3: {  	_ =	swait.ge [sflag:s29], $0x1  }
0xb4: {  	[sflag:s29] =	ssyncadd.s32 $0xFFFFFFFF  }
0xb5: {  	_ =	strace $0x90000048  }
0xb6: {  	_ =	sfence  }
0xb7: {  	s30 =	sld [smem:$0x0];
	_ =	sdelay $0x2  }
0xb8: {  	s31 =	sshll.u32 s1, $0xD;
	s1 =	sshrl.u32 s1, $0x2  }
0xb9: {  	s3 =	sand.u32 $0x4000, s31;
	s1 =	sadd.s32 s1, s30  }
0xba: {  	s0 =	sor.u32 s3, s0;
	s1 =	sshll.u32 s1, $0x11  }
0xbb: {  	s0 =	sor.u32 s1, s0  }
0xbc: {  	s0 =	sadd.s32 $0x8F2B, s0  }
0xbd: {  	[sflag:s0] =	ssyncadd.remote.s32 $0x1  }
0xbe: {  	_ =	sfence.sel $0xFFFF  }
0xbf: {  	[dreg:$0x0] =	wrdreg $0xFFFFFFFF;
	(pc) =	sbr.abs _section_cstart, $3  }
0xc0: {  	[dreg:$0x1] =	wrdreg $0xFFFFFFFF  }
0xc1: {  	_ =	task.clear_ibuf [dreg:s7], $0x2FFFF;
	_ =	strace $0x9FFFFFFF  }
0xc2: {  	(tm) =	ssettm $0x7FFFFFFF  }
0xc3: {  	_ =	shalt  }
tec
execute0_lowered:
.L_overlay_start_1:
0x0: {  	(tag) =	ssettag $0x1  }
0x1: {  	s1 =	stileid.u32  }
0x2: {  	p0 =	sgt.u32 s1, $0xD  }
.Ltmp0:
0x3: {  	_ = 	snop;
	(pc) =	sbr.rel @p0 .LBB2_3-.Ltmp0, $4  }
0x4: {  	_ = 	snop  }
0x5: {  	s0 =	rddreg [dreg:$0x0];
	s2 =	simm.s32 $0x0  }
0x6: {  	[smem:$0x7FF] =	sst s2  }
0x7: {  	s3 =	rddreg [dreg:$0x1];
	_ =	strace $0x80000047  }
0x8: {  	s17 =	simm.s32 $0xA00  }
0x9: {  	s18 =	simm.s32 $0x1200;
	[dreg:$0x4] =	wrdreg s17  }
0xa: {  	s19 =	simm.s32 $0x1A00;
	[dreg:$0x5] =	wrdreg s18  }
0xb: {  	s20 =	simm.s32 $0x2200;
	[dreg:$0x6] =	wrdreg s19  }
0xc: {  	s21 =	simm.s32 $0x2A00;
	[dreg:$0x7] =	wrdreg s20  }
0xd: {  	s22 =	simm.s32 $0x3200;
	[dreg:$0x8] =	wrdreg s21  }
0xe: {  	s23 =	simm.s32 $0x3A00;
	[dreg:$0x9] =	wrdreg s22  }
0xf: {  	s24 =	simm.s32 $0x4200;
	[dreg:$0xa] =	wrdreg s23  }
0x10: {  	s25 =	simm.s32 $0x4A00;
	[dreg:$0xb] =	wrdreg s24  }
0x11: {  	s26 =	simm.s32 $0x5200;
	[dreg:$0xc] =	wrdreg s25  }
0x12: {  	s7 =	simm.s32 $0x6A00;
	[dreg:$0xd] =	wrdreg s26  }
0x13: {  	s4 =	srdreg.scid;
	s8 =	simm.s32 $0x7200;
	[dreg:$0x10] =	wrdreg s7  }
0x14: {  	s1 =	stileid.u32;
	s9 =	simm.s32 $0x7A00;
	[dreg:$0x11] =	wrdreg s8  }
0x15: {  	s10 =	simm.s32 $0x8200;
	s11 =	simm.s32 $0x8A00;
	[dreg:$0x12] =	wrdreg s9  }
0x16: {  	s12 =	simm.s32 $0x9200;
	s13 =	simm.s32 $0x9A00;
	[dreg:$0x13] =	wrdreg s10  }
0x17: {  	s14 =	simm.s32 $0xA200;
	s15 =	simm.s32 $0xAA00;
	[dreg:$0x14] =	wrdreg s11  }
0x18: {  	s16 =	simm.s32 $0xB200;
	s28 =	simm.s32 $0x1AA00;
	[dreg:$0x15] =	wrdreg s12  }
0x19: {  	s29 =	simm.s32 $0x1B200;
	s30 =	simm.s32 $0x1BA00;
	[dreg:$0x16] =	wrdreg s13  }
0x1a: {  	s31 =	simm.s32 $0x1;
	s4 =	sand.u32 $0x1, s4;
	[dreg:$0x17] =	wrdreg s14  }
0x1b: {  	s5 =	sshll.u32 s1, $0x1;
	s1 =	simm.s32 $0x5A00;
	[dreg:$0x18] =	wrdreg s15  }
0x1c: {  	[dreg:$0x19] =	wrdreg s16;
	s17 =	simm.s32 $0xBA00;
	s18 =	simm.s32 $0xC200  }
0x1d: {  	s19 =	simm.s32 $0xCA00;
	s20 =	simm.s32 $0xD200;
	[dreg:$0xe] =	wrdreg s1  }
0x1e: {  	s21 =	simm.s32 $0xDA00;
	s23 =	simm.s32 $0xE200;
	[dreg:$0x1a] =	wrdreg s17  }
0x1f: {  	s24 =	simm.s32 $0xEA00;
	s25 =	simm.s32 $0xF200;
	[dreg:$0x1b] =	wrdreg s18  }
0x20: {  	s26 =	simm.s32 $0xFA00;
	s7 =	simm.s32 $0x10A00;
	[dreg:$0x1c] =	wrdreg s19  }
0x21: {  	s9 =	simm.s32 $0x11A00;
	s10 =	simm.s32 $0x12200;
	[dreg:$0x1d] =	wrdreg s20  }
0x22: {  	s11 =	simm.s32 $0x12A00;
	s12 =	simm.s32 $0x13200;
	[dreg:$0x1e] =	wrdreg s21  }
0x23: {  	s13 =	simm.s32 $0x13A00;
	s5 =	sor.u32 s4, s5;
	[dreg:$0x1f] =	wrdreg s23  }
0x24: {  	s14 =	simm.s32 $0x14200;
	[smem:$0x7FB] =	sst s24;
	s8 =	smul.u32 $0x7, s5  }
0x25: {  	s15 =	simm.s32 $0x14A00;
	s16 =	simm.s32 $0x15200;
	[smem:$0x7FC] =	sst s25  }
0x26: {  	s4 =	ssub.s32 $0x2, s4;
	[smem:$0x7FD] =	sst s26;
	s17 =	simm.s32 $0x15A00;
	v0 =	vmov s8  }
0x27: {  	vm0 =	vmmov $0xffff;
	s18 =	simm.s32 $0x16200;
	s19 =	simm.s32 $0x16A00;
	s20 =	simm.s32 $0x17200;
	v3 =	vshll.u32 v0, $0x1  }
0x28: {  	s21 =	simm.s32 $0x17A00;
	s23 =	simm.s32 $0x18A00;
	s24 =	simm.s32 $0x19200;
	v1 =	vadd.s32 $0x1, v0;
	v5 =	vand.u32 $0x7, v0;
	v4 =	vand.u32 $0x7FFFFFF0, v3  }
0x29: {  	s25 =	simm.s32 $0x19A00;
	s6 =	smul.u32 $0x3800, s5;
	s22 =	sshrl.u32 s4, $0x1;
	v2 =	vadd.s32 $0x2, v0;
	v7 =	vor.u32 v5, v4;
	v5 =	vlaneseq.u32  }
0x2a: {  	s26 =	simm.s32 $0x1A200;
	s5 =	simm.s32 $0x200;
	s4 =	ssub.s32 s4, s22;
	v4 =	vand.u32 $0x7, v5;
	v6 =	vshrl.u32 v5, $0x3;
	v5 =	vor.u32 $0x8, v5  }
0x2b: {  	s22 =	simm.s32 $0x18200;
	s3 =	sadd.s32 s3, s6;
	s6 =	simm.s32 $0x6200;
	v10 =	vperm.xlane v7, v4;
	v6 =	vmul.u32 $0x8, v6;
	v11 =	vperm.xlane v7, v5  }
0x2c: {  	s4 =	smax.u32 s4, $0x1;
	s8 =	simm.s32 $0x11200;
	[dreg:$0x3] =	wrdreg s3;
	v8 =	vadd.s32 $0x5, v0;
	v9 =	vadd.s32 $0x6, v0;
	v3 =	vadd.s32 $0x3, v0  }
0x2d: {  	[dreg:$0xf] =	wrdreg s6;
	s3 =	sadd.s32 $0xA00, s0;
	s0 =	simm.s32 $0x2;
	v7 =	vadd.s32 $0x4, v0;
	v10 =	vadd.s32 v6, v10;
	v11 =	vadd.s32 v6, v11  }
.LBB2_2:
0x2e: {  	[tilespmem:$0x0] =	vst v0  }
0x2f: {  	[tilespmem:$0x10] =	vst v0  }
0x30: {  	[tilespmem:$0x20] =	vst v0  }
0x31: {  	[tilespmem:$0x30] =	vst v0  }
0x32: {  	[tilespmem:$0x40] =	vst v1  }
0x33: {  	[tilespmem:$0x50] =	vst v1  }
0x34: {  	[tilespmem:$0x60] =	vst v1  }
0x35: {  	[tilespmem:$0x70] =	vst v1  }
0x36: {  	[tilespmem:$0x80] =	vst v2  }
0x37: {  	[tilespmem:$0x90] =	vst v2  }
0x38: {  	[tilespmem:$0xA0] =	vst v2  }
0x39: {  	[tilespmem:$0xB0] =	vst v2  }
0x3a: {  	[tilespmem:$0xC0] =	vst v3  }
0x3b: {  	[tilespmem:$0xD0] =	vst v3  }
0x3c: {  	[tilespmem:$0xE0] =	vst v3  }
0x3d: {  	[tilespmem:$0xF0] =	vst v3  }
0x3e: {  	[tilespmem:$0x100] =	vst v7  }
0x3f: {  	[tilespmem:$0x110] =	vst v7  }
0x40: {  	[tilespmem:$0x120] =	vst v7  }
0x41: {  	[tilespmem:$0x130] =	vst v7  }
0x42: {  	[tilespmem:$0x140] =	vst v8  }
0x43: {  	[tilespmem:$0x150] =	vst v8  }
0x44: {  	[tilespmem:$0x160] =	vst v8  }
0x45: {  	[tilespmem:$0x170] =	vst v8  }
0x46: {  	[tilespmem:$0x180] =	vst v9  }
0x47: {  	[tilespmem:$0x190] =	vst v9  }
0x48: {  	[tilespmem:$0x1A0] =	vst v9  }
0x49: {  	[tilespmem:$0x1B0] =	vst v9  }
0x4a: {  	[tilespmem:s5], [sflag:$0x1] =	stream.indirect_vreg.gather [hbm4b:s3+s2], $0x80, v10, vm0, $0xb8;
	[tilespmem:$0x1C200] =	vst v63  }
0x4b: {  	s1 =	rddreg [dreg:$0x4]  }
0x4c: {  	[tilespmem:s1], [sflag:$0x1] =	stream.indirect_vreg.gather [hbm4b:s3+s2], $0x80, v11, vm0, $0xb8;
	[tilespmem:$0x1C200] =	vst v63  }
0x4d: {  	v12 =	vld [tilespmem:$0x10];
	_ =	sdelay $0x4  }
0x4e: {  	v13 =	vshll.u32 v12, $0x1  }
0x4f: {  	v12 =	vand.u32 $0x7, v12;
	v13 =	vand.u32 $0xFFFFFFF0, v13  }
0x50: {  	v12 =	vor.u32 v12, v13  }
0x51: {  	v13 =	vperm.xlane v12, v4;
	_ =	sdelay $0x1  }
0x52: {  	v12 =	vperm.xlane v12, v5;
	v13 =	vadd.s32 v6, v13;
	_ =	sdelay $0x1  }
0x53: {  	v12 =	vadd.s32 v6, v12;
	_ =	sdelay $0x1  }
0x54: {  	s1 =	rddreg [dreg:$0x5]  }
0x55: {  	[tilespmem:s1], [sflag:$0x1] =	stream.indirect_vreg.gather [hbm4b:s3+s2], $0x80, v13, vm0, $0xb8;
	[tilespmem:$0x1C200] =	vst v63  }
0x56: {  	s6 =	rddreg [dreg:$0x6]  }
0x57: {  	[tilespmem:s6], [sflag:$0x1] =	stream.indirect_vreg.gather [hbm4b:s3+s2], $0x80, v12, vm0, $0xb8;
	[tilespmem:$0x1C200] =	vst v63  }
0x58: {  	v12 =	vld [tilespmem:$0x20];
	_ =	sdelay $0x4  }
0x59: {  	v38 =	vshll.u32 v12, $0x1  }
0x5a: {  	v12 =	vand.u32 $0x7, v12;
	v13 =	vand.u32 $0xFFFFFFF0, v38  }
0x5b: {  	v12 =	vor.u32 v12, v13  }
0x5c: {  	v13 =	vperm.xlane v12, v4;
	_ =	sdelay $0x1  }
0x5d: {  	v12 =	vperm.xlane v12, v5;
	v13 =	vadd.s32 v6, v13;
	_ =	sdelay $0x1  }
0x5e: {  	v12 =	vadd.s32 v6, v12;
	_ =	sdelay $0x1  }
0x5f: {  	s1 =	rddreg [dreg:$0x7]  }
0x60: {  	[tilespmem:s1], [sflag:$0x1] =	stream.indirect_vreg.gather [hbm4b:s3+s2], $0x80, v13, vm0, $0xb8;
	[tilespmem:$0x1C200] =	vst v63  }
0x61: {  	s6 =	rddreg [dreg:$0x8]  }
0x62: {  	[tilespmem:s6], [sflag:$0x1] =	stream.indirect_vreg.gather [hbm4b:s3+s2], $0x80, v12, vm0, $0xb8;
	[tilespmem:$0x1C200] =	vst v63  }
0x63: {  	v12 =	vld [tilespmem:$0x30];
	_ =	sdelay $0x4  }
0x64: {  	v39 =	vshll.u32 v12, $0x1  }
0x65: {  	v12 =	vand.u32 $0x7, v12;
	v13 =	vand.u32 $0xFFFFFFF0, v39  }
0x66: {  	v12 =	vor.u32 v12, v13  }
0x67: {  	v13 =	vperm.xlane v12, v4;
	_ =	sdelay $0x1  }
0x68: {  	v12 =	vperm.xlane v12, v5;
	v13 =	vadd.s32 v6, v13;
	_ =	sdelay $0x1  }
0x69: {  	v12 =	vadd.s32 v6, v12;
	_ =	sdelay $0x1  }
0x6a: {  	s1 =	rddreg [dreg:$0x9]  }
0x6b: {  	[tilespmem:s1], [sflag:$0x1] =	stream.indirect_vreg.gather [hbm4b:s3+s2], $0x80, v13, vm0, $0xb8;
	[tilespmem:$0x1C200] =	vst v63  }
0x6c: {  	s6 =	rddreg [dreg:$0xa]  }
0x6d: {  	[tilespmem:s6], [sflag:$0x1] =	stream.indirect_vreg.gather [hbm4b:s3+s2], $0x80, v12, vm0, $0xb8;
	[tilespmem:$0x1C200] =	vst v63  }
0x6e: {  	v12 =	vld [tilespmem:$0x40];
	_ =	sdelay $0x4  }
0x6f: {  	v40 =	vshll.u32 v12, $0x1  }
0x70: {  	v12 =	vand.u32 $0x7, v12;
	v13 =	vand.u32 $0xFFFFFFF0, v40  }
0x71: {  	v12 =	vor.u32 v12, v13  }
0x72: {  	v13 =	vperm.xlane v12, v4;
	_ =	sdelay $0x1  }
0x73: {  	v12 =	vperm.xlane v12, v5;
	v13 =	vadd.s32 v6, v13;
	_ =	sdelay $0x1  }
0x74: {  	v12 =	vadd.s32 v6, v12;
	_ =	sdelay $0x1  }
0x75: {  	s1 =	rddreg [dreg:$0xb]  }
0x76: {  	[tilespmem:s1], [sflag:$0x1] =	stream.indirect_vreg.gather [hbm4b:s3+s2], $0x80, v13, vm0, $0xb8;
	[tilespmem:$0x1C200] =	vst v63  }
0x77: {  	s6 =	rddreg [dreg:$0xc]  }
0x78: {  	[tilespmem:s6], [sflag:$0x1] =	stream.indirect_vreg.gather [hbm4b:s3+s2], $0x80, v12, vm0, $0xb8;
	[tilespmem:$0x1C200] =	vst v63  }
0x79: {  	v12 =	vld [tilespmem:$0x50];
	_ =	sdelay $0x4  }
0x7a: {  	v41 =	vshll.u32 v12, $0x1  }
0x7b: {  	v12 =	vand.u32 $0x7, v12;
	v13 =	vand.u32 $0xFFFFFFF0, v41  }
0x7c: {  	v12 =	vor.u32 v12, v13  }
0x7d: {  	v13 =	vperm.xlane v12, v4;
	_ =	sdelay $0x1  }
0x7e: {  	v12 =	vperm.xlane v12, v5;
	v13 =	vadd.s32 v6, v13;
	_ =	sdelay $0x1  }
0x7f: {  	v12 =	vadd.s32 v6, v12;
	_ =	sdelay $0x1  }
0x80: {  	s1 =	rddreg [dreg:$0xd]  }
0x81: {  	[tilespmem:s1], [sflag:$0x1] =	stream.indirect_vreg.gather [hbm4b:s3+s2], $0x80, v13, vm0, $0xb8;
	[tilespmem:$0x1C200] =	vst v63  }
0x82: {  	s6 =	rddreg [dreg:$0xe]  }
0x83: {  	[tilespmem:s6], [sflag:$0x1] =	stream.indirect_vreg.gather [hbm4b:s3+s2], $0x80, v12, vm0, $0xb8;
	[tilespmem:$0x1C200] =	vst v63  }
0x84: {  	v12 =	vld [tilespmem:$0x60];
	_ =	sdelay $0x4  }
0x85: {  	v42 =	vshll.u32 v12, $0x1  }
0x86: {  	v12 =	vand.u32 $0x7, v12;
	v13 =	vand.u32 $0xFFFFFFF0, v42  }
0x87: {  	v12 =	vor.u32 v12, v13  }
0x88: {  	v13 =	vperm.xlane v12, v4;
	_ =	sdelay $0x1  }
0x89: {  	v12 =	vperm.xlane v12, v5;
	v13 =	vadd.s32 v6, v13;
	_ =	sdelay $0x1  }
0x8a: {  	v12 =	vadd.s32 v6, v12;
	_ =	sdelay $0x1  }
0x8b: {  	s1 =	rddreg [dreg:$0xf]  }
0x8c: {  	[tilespmem:s1], [sflag:$0x1] =	stream.indirect_vreg.gather [hbm4b:s3+s2], $0x80, v13, vm0, $0xb8;
	[tilespmem:$0x1C200] =	vst v63  }
0x8d: {  	s6 =	rddreg [dreg:$0x10]  }
0x8e: {  	[tilespmem:s6], [sflag:$0x1] =	stream.indirect_vreg.gather [hbm4b:s3+s2], $0x80, v12, vm0, $0xb8;
	[tilespmem:$0x1C200] =	vst v63  }
0x8f: {  	v12 =	vld [tilespmem:$0x70];
	_ =	sdelay $0x4  }
0x90: {  	v43 =	vshll.u32 v12, $0x1  }
0x91: {  	v12 =	vand.u32 $0x7, v12;
	v13 =	vand.u32 $0xFFFFFFF0, v43  }
0x92: {  	v12 =	vor.u32 v12, v13  }
0x93: {  	v13 =	vperm.xlane v12, v4;
	_ =	sdelay $0x1  }
0x94: {  	v12 =	vperm.xlane v12, v5;
	v13 =	vadd.s32 v6, v13;
	_ =	sdelay $0x1  }
0x95: {  	v12 =	vadd.s32 v6, v12;
	_ =	sdelay $0x1  }
0x96: {  	s1 =	rddreg [dreg:$0x11]  }
0x97: {  	[tilespmem:s1], [sflag:$0x1] =	stream.indirect_vreg.gather [hbm4b:s3+s2], $0x80, v13, vm0, $0xb8;
	[tilespmem:$0x1C200] =	vst v63  }
0x98: {  	s6 =	rddreg [dreg:$0x12]  }
0x99: {  	[tilespmem:s6], [sflag:$0x1] =	stream.indirect_vreg.gather [hbm4b:s3+s2], $0x80, v12, vm0, $0xb8;
	[tilespmem:$0x1C200] =	vst v63  }
0x9a: {  	v12 =	vld [tilespmem:$0x80];
	_ =	sdelay $0x4  }
0x9b: {  	v44 =	vshll.u32 v12, $0x1  }
0x9c: {  	v12 =	vand.u32 $0x7, v12;
	v13 =	vand.u32 $0xFFFFFFF0, v44  }
0x9d: {  	v12 =	vor.u32 v12, v13  }
0x9e: {  	v13 =	vperm.xlane v12, v4;
	_ =	sdelay $0x1  }
0x9f: {  	v12 =	vperm.xlane v12, v5;
	v13 =	vadd.s32 v6, v13;
	_ =	sdelay $0x1  }
0xa0: {  	v12 =	vadd.s32 v6, v12;
	_ =	sdelay $0x1  }
0xa1: {  	s1 =	rddreg [dreg:$0x13]  }
0xa2: {  	[tilespmem:s1], [sflag:$0x1] =	stream.indirect_vreg.gather [hbm4b:s3+s2], $0x80, v13, vm0, $0xb8;
	[tilespmem:$0x1C200] =	vst v63  }
0xa3: {  	s6 =	rddreg [dreg:$0x14]  }
0xa4: {  	[tilespmem:s6], [sflag:$0x1] =	stream.indirect_vreg.gather [hbm4b:s3+s2], $0x80, v12, vm0, $0xb8;
	[tilespmem:$0x1C200] =	vst v63  }
0xa5: {  	v12 =	vld [tilespmem:$0x90];
	_ =	sdelay $0x4  }
0xa6: {  	v45 =	vshll.u32 v12, $0x1  }
0xa7: {  	v12 =	vand.u32 $0x7, v12;
	v13 =	vand.u32 $0xFFFFFFF0, v45  }
0xa8: {  	v12 =	vor.u32 v12, v13  }
0xa9: {  	v13 =	vperm.xlane v12, v4;
	_ =	sdelay $0x1  }
0xaa: {  	v12 =	vperm.xlane v12, v5;
	v13 =	vadd.s32 v6, v13;
	_ =	sdelay $0x1  }
0xab: {  	v12 =	vadd.s32 v6, v12;
	_ =	sdelay $0x1  }
0xac: {  	s1 =	rddreg [dreg:$0x15]  }
0xad: {  	[tilespmem:s1], [sflag:$0x1] =	stream.indirect_vreg.gather [hbm4b:s3+s2], $0x80, v13, vm0, $0xb8;
	[tilespmem:$0x1C200] =	vst v63  }
0xae: {  	s6 =	rddreg [dreg:$0x16]  }
0xaf: {  	[tilespmem:s6], [sflag:$0x1] =	stream.indirect_vreg.gather [hbm4b:s3+s2], $0x80, v12, vm0, $0xb8;
	[tilespmem:$0x1C200] =	vst v63  }
0xb0: {  	v12 =	vld [tilespmem:$0xA0];
	_ =	sdelay $0x4  }
0xb1: {  	v46 =	vshll.u32 v12, $0x1  }
0xb2: {  	v12 =	vand.u32 $0x7, v12;
	v13 =	vand.u32 $0xFFFFFFF0, v46  }
0xb3: {  	v12 =	vor.u32 v12, v13  }
0xb4: {  	v13 =	vperm.xlane v12, v4;
	_ =	sdelay $0x1  }
0xb5: {  	v12 =	vperm.xlane v12, v5;
	v13 =	vadd.s32 v6, v13;
	_ =	sdelay $0x1  }
0xb6: {  	v12 =	vadd.s32 v6, v12;
	_ =	sdelay $0x1  }
0xb7: {  	s1 =	rddreg [dreg:$0x17]  }
0xb8: {  	[tilespmem:s1], [sflag:$0x1] =	stream.indirect_vreg.gather [hbm4b:s3+s2], $0x80, v13, vm0, $0xb8;
	[tilespmem:$0x1C200] =	vst v63  }
0xb9: {  	s6 =	rddreg [dreg:$0x18]  }
0xba: {  	[tilespmem:s6], [sflag:$0x1] =	stream.indirect_vreg.gather [hbm4b:s3+s2], $0x80, v12, vm0, $0xb8;
	[tilespmem:$0x1C200] =	vst v63  }
0xbb: {  	v12 =	vld [tilespmem:$0xB0];
	_ =	sdelay $0x4  }
0xbc: {  	v47 =	vshll.u32 v12, $0x1  }
0xbd: {  	v12 =	vand.u32 $0x7, v12;
	v13 =	vand.u32 $0xFFFFFFF0, v47  }
0xbe: {  	v12 =	vor.u32 v12, v13  }
0xbf: {  	v13 =	vperm.xlane v12, v4;
	_ =	sdelay $0x1  }
0xc0: {  	v12 =	vperm.xlane v12, v5;
	v13 =	vadd.s32 v6, v13;
	_ =	sdelay $0x1  }
0xc1: {  	v12 =	vadd.s32 v6, v12;
	_ =	sdelay $0x1  }
0xc2: {  	s1 =	rddreg [dreg:$0x19]  }
0xc3: {  	[tilespmem:s1], [sflag:$0x1] =	stream.indirect_vreg.gather [hbm4b:s3+s2], $0x80, v13, vm0, $0xb8;
	[tilespmem:$0x1C200] =	vst v63  }
0xc4: {  	s6 =	rddreg [dreg:$0x1a]  }
0xc5: {  	[tilespmem:s6], [sflag:$0x1] =	stream.indirect_vreg.gather [hbm4b:s3+s2], $0x80, v12, vm0, $0xb8;
	[tilespmem:$0x1C200] =	vst v63  }
0xc6: {  	v12 =	vld [tilespmem:$0xC0];
	_ =	sdelay $0x4  }
0xc7: {  	v48 =	vshll.u32 v12, $0x1  }
0xc8: {  	v12 =	vand.u32 $0x7, v12;
	v13 =	vand.u32 $0xFFFFFFF0, v48  }
0xc9: {  	v12 =	vor.u32 v12, v13  }
0xca: {  	v13 =	vperm.xlane v12, v4;
	_ =	sdelay $0x1  }
0xcb: {  	v12 =	vperm.xlane v12, v5;
	v13 =	vadd.s32 v6, v13;
	_ =	sdelay $0x1  }
0xcc: {  	v12 =	vadd.s32 v6, v12;
	_ =	sdelay $0x1  }
0xcd: {  	s1 =	rddreg [dreg:$0x1b]  }
0xce: {  	[tilespmem:s1], [sflag:$0x1] =	stream.indirect_vreg.gather [hbm4b:s3+s2], $0x80, v13, vm0, $0xb8;
	[tilespmem:$0x1C200] =	vst v63  }
0xcf: {  	s6 =	rddreg [dreg:$0x1c]  }
0xd0: {  	[tilespmem:s6], [sflag:$0x1] =	stream.indirect_vreg.gather [hbm4b:s3+s2], $0x80, v12, vm0, $0xb8;
	[tilespmem:$0x1C200] =	vst v63  }
0xd1: {  	v12 =	vld [tilespmem:$0xD0];
	_ =	sdelay $0x4  }
0xd2: {  	v49 =	vshll.u32 v12, $0x1  }
0xd3: {  	v12 =	vand.u32 $0x7, v12;
	v13 =	vand.u32 $0xFFFFFFF0, v49  }
0xd4: {  	v12 =	vor.u32 v12, v13  }
0xd5: {  	v13 =	vperm.xlane v12, v4;
	_ =	sdelay $0x1  }
0xd6: {  	v12 =	vperm.xlane v12, v5;
	v13 =	vadd.s32 v6, v13;
	_ =	sdelay $0x1  }
0xd7: {  	v12 =	vadd.s32 v6, v12;
	_ =	sdelay $0x1  }
0xd8: {  	s1 =	rddreg [dreg:$0x1d]  }
0xd9: {  	[tilespmem:s1], [sflag:$0x1] =	stream.indirect_vreg.gather [hbm4b:s3+s2], $0x80, v13, vm0, $0xb8;
	[tilespmem:$0x1C200] =	vst v63  }
0xda: {  	s6 =	rddreg [dreg:$0x1e]  }
0xdb: {  	[tilespmem:s6], [sflag:$0x1] =	stream.indirect_vreg.gather [hbm4b:s3+s2], $0x80, v12, vm0, $0xb8;
	[tilespmem:$0x1C200] =	vst v63  }
0xdc: {  	v12 =	vld [tilespmem:$0xE0];
	_ =	sdelay $0x4  }
0xdd: {  	v50 =	vshll.u32 v12, $0x1  }
0xde: {  	v12 =	vand.u32 $0x7, v12;
	v13 =	vand.u32 $0xFFFFFFF0, v50  }
0xdf: {  	v12 =	vor.u32 v12, v13  }
0xe0: {  	v13 =	vperm.xlane v12, v4;
	_ =	sdelay $0x1  }
0xe1: {  	v12 =	vperm.xlane v12, v5;
	v13 =	vadd.s32 v6, v13;
	_ =	sdelay $0x1  }
0xe2: {  	v12 =	vadd.s32 v6, v12  }
0xe3: {  	s1 =	rddreg [dreg:$0x1f]  }
0xe4: {  	s6 =	sld [smem:$0x7FB]  }
0xe5: {  	[tilespmem:s1], [sflag:$0x1] =	stream.indirect_vreg.gather [hbm4b:s3+s2], $0x80, v13, vm0, $0xb8;
	[tilespmem:$0x1C200] =	vst v63  }
0xe6: {  	_ = 	snop  }
0xe7: {  	[tilespmem:s6], [sflag:$0x1] =	stream.indirect_vreg.gather [hbm4b:s3+s2], $0x80, v12, vm0, $0xb8;
	[tilespmem:$0x1C200] =	vst v63  }
0xe8: {  	v12 =	vld [tilespmem:$0xF0];
	_ =	sdelay $0x4  }
0xe9: {  	v51 =	vshll.u32 v12, $0x1  }
0xea: {  	v12 =	vand.u32 $0x7, v12;
	v13 =	vand.u32 $0xFFFFFFF0, v51  }
0xeb: {  	v12 =	vor.u32 v12, v13  }
0xec: {  	v13 =	vperm.xlane v12, v4;
	_ =	sdelay $0x1  }
0xed: {  	v12 =	vperm.xlane v12, v5;
	v13 =	vadd.s32 v6, v13;
	_ =	sdelay $0x1  }
0xee: {  	s1 =	sld [smem:$0x7FC];
	v12 =	vadd.s32 v6, v12;
	_ =	sdelay $0x1  }
0xef: {  	s6 =	sld [smem:$0x7FD]  }
0xf0: {  	[tilespmem:s1], [sflag:$0x1] =	stream.indirect_vreg.gather [hbm4b:s3+s2], $0x80, v13, vm0, $0xb8;
	[tilespmem:$0x1C200] =	vst v63  }
0xf1: {  	_ = 	snop  }
0xf2: {  	[tilespmem:s6], [sflag:$0x1] =	stream.indirect_vreg.gather [hbm4b:s3+s2], $0x80, v12, vm0, $0xb8;
	[tilespmem:$0x1C200] =	vst v63  }
0xf3: {  	v12 =	vld [tilespmem:$0x100];
	_ =	sdelay $0x4  }
0xf4: {  	v52 =	vshll.u32 v12, $0x1  }
0xf5: {  	v12 =	vand.u32 $0x7, v12;
	v13 =	vand.u32 $0xFFFFFFF0, v52  }
0xf6: {  	v12 =	vor.u32 v12, v13  }
0xf7: {  	v13 =	vperm.xlane v12, v4;
	_ =	sdelay $0x1  }
0xf8: {  	v12 =	vperm.xlane v12, v5;
	v13 =	vadd.s32 v6, v13;
	_ =	sdelay $0x1  }
0xf9: {  	v12 =	vadd.s32 v6, v12;
	_ =	sdelay $0x1  }
0xfa: {  	s6 =	simm.s32 $0x10200  }
0xfb: {  	[tilespmem:s6], [sflag:$0x1] =	stream.indirect_vreg.gather [hbm4b:s3+s2], $0x80, v13, vm0, $0xb8;
	[tilespmem:$0x1C200] =	vst v63  }
0xfc: {  	_ = 	snop  }
0xfd: {  	[tilespmem:s7], [sflag:$0x1] =	stream.indirect_vreg.gather [hbm4b:s3+s2], $0x80, v12, vm0, $0xb8;
	[tilespmem:$0x1C200] =	vst v63  }
0xfe: {  	v12 =	vld [tilespmem:$0x110];
	_ =	sdelay $0x4  }
0xff: {  	v53 =	vshll.u32 v12, $0x1  }
0x100: {  	v12 =	vand.u32 $0x7, v12;
	v13 =	vand.u32 $0xFFFFFFF0, v53  }
0x101: {  	v12 =	vor.u32 v12, v13  }
0x102: {  	v13 =	vperm.xlane v12, v4;
	_ =	sdelay $0x1  }
0x103: {  	v12 =	vperm.xlane v12, v5;
	v13 =	vadd.s32 v6, v13;
	_ =	sdelay $0x1  }
0x104: {  	v12 =	vadd.s32 v6, v12;
	_ =	sdelay $0x2  }
0x105: {  	[tilespmem:s8], [sflag:$0x1] =	stream.indirect_vreg.gather [hbm4b:s3+s2], $0x80, v13, vm0, $0xb8;
	[tilespmem:$0x1C200] =	vst v63  }
0x106: {  	_ = 	snop  }
0x107: {  	[tilespmem:s9], [sflag:$0x1] =	stream.indirect_vreg.gather [hbm4b:s3+s2], $0x80, v12, vm0, $0xb8;
	[tilespmem:$0x1C200] =	vst v63  }
0x108: {  	v12 =	vld [tilespmem:$0x120];
	_ =	sdelay $0x4  }
0x109: {  	v54 =	vshll.u32 v12, $0x1  }
0x10a: {  	v12 =	vand.u32 $0x7, v12;
	v13 =	vand.u32 $0xFFFFFFF0, v54  }
0x10b: {  	v12 =	vor.u32 v12, v13  }
0x10c: {  	v13 =	vperm.xlane v12, v4;
	_ =	sdelay $0x1  }
0x10d: {  	v12 =	vperm.xlane v12, v5;
	v13 =	vadd.s32 v6, v13;
	_ =	sdelay $0x1  }
0x10e: {  	v12 =	vadd.s32 v6, v12;
	_ =	sdelay $0x2  }
0x10f: {  	[tilespmem:s10], [sflag:$0x1] =	stream.indirect_vreg.gather [hbm4b:s3+s2], $0x80, v13, vm0, $0xb8;
	[tilespmem:$0x1C200] =	vst v63  }
0x110: {  	_ = 	snop  }
0x111: {  	[tilespmem:s11], [sflag:$0x1] =	stream.indirect_vreg.gather [hbm4b:s3+s2], $0x80, v12, vm0, $0xb8;
	[tilespmem:$0x1C200] =	vst v63  }
0x112: {  	v12 =	vld [tilespmem:$0x130];
	_ =	sdelay $0x4  }
0x113: {  	v55 =	vshll.u32 v12, $0x1  }
0x114: {  	v12 =	vand.u32 $0x7, v12;
	v13 =	vand.u32 $0xFFFFFFF0, v55  }
0x115: {  	v12 =	vor.u32 v12, v13  }
0x116: {  	v13 =	vperm.xlane v12, v4;
	_ =	sdelay $0x1  }
0x117: {  	v12 =	vperm.xlane v12, v5;
	v13 =	vadd.s32 v6, v13;
	_ =	sdelay $0x1  }
0x118: {  	v12 =	vadd.s32 v6, v12;
	_ =	sdelay $0x2  }
0x119: {  	[tilespmem:s12], [sflag:$0x1] =	stream.indirect_vreg.gather [hbm4b:s3+s2], $0x80, v13, vm0, $0xb8;
	[tilespmem:$0x1C200] =	vst v63  }
0x11a: {  	_ = 	snop  }
0x11b: {  	[tilespmem:s13], [sflag:$0x1] =	stream.indirect_vreg.gather [hbm4b:s3+s2], $0x80, v12, vm0, $0xb8;
	[tilespmem:$0x1C200] =	vst v63  }
0x11c: {  	v12 =	vld [tilespmem:$0x140];
	_ =	sdelay $0x4  }
0x11d: {  	v56 =	vshll.u32 v12, $0x1  }
0x11e: {  	v12 =	vand.u32 $0x7, v12;
	v13 =	vand.u32 $0xFFFFFFF0, v56  }
0x11f: {  	v12 =	vor.u32 v12, v13  }
0x120: {  	v13 =	vperm.xlane v12, v4;
	_ =	sdelay $0x1  }
0x121: {  	v12 =	vperm.xlane v12, v5;
	v13 =	vadd.s32 v6, v13;
	_ =	sdelay $0x1  }
0x122: {  	v12 =	vadd.s32 v6, v12;
	_ =	sdelay $0x2  }
0x123: {  	[tilespmem:s14], [sflag:$0x1] =	stream.indirect_vreg.gather [hbm4b:s3+s2], $0x80, v13, vm0, $0xb8;
	[tilespmem:$0x1C200] =	vst v63  }
0x124: {  	_ = 	snop  }
0x125: {  	[tilespmem:s15], [sflag:$0x1] =	stream.indirect_vreg.gather [hbm4b:s3+s2], $0x80, v12, vm0, $0xb8;
	[tilespmem:$0x1C200] =	vst v63  }
0x126: {  	v12 =	vld [tilespmem:$0x150];
	_ =	sdelay $0x4  }
0x127: {  	v57 =	vshll.u32 v12, $0x1  }
0x128: {  	v12 =	vand.u32 $0x7, v12;
	v13 =	vand.u32 $0xFFFFFFF0, v57  }
0x129: {  	v12 =	vor.u32 v12, v13  }
0x12a: {  	v13 =	vperm.xlane v12, v4;
	_ =	sdelay $0x1  }
0x12b: {  	v12 =	vperm.xlane v12, v5;
	v13 =	vadd.s32 v6, v13;
	_ =	sdelay $0x1  }
0x12c: {  	v12 =	vadd.s32 v6, v12;
	_ =	sdelay $0x2  }
0x12d: {  	[tilespmem:s16], [sflag:$0x1] =	stream.indirect_vreg.gather [hbm4b:s3+s2], $0x80, v13, vm0, $0xb8;
	[tilespmem:$0x1C200] =	vst v63  }
0x12e: {  	_ = 	snop  }
0x12f: {  	[tilespmem:s17], [sflag:$0x1] =	stream.indirect_vreg.gather [hbm4b:s3+s2], $0x80, v12, vm0, $0xb8;
	[tilespmem:$0x1C200] =	vst v63  }
0x130: {  	v12 =	vld [tilespmem:$0x160];
	_ =	sdelay $0x4  }
0x131: {  	v58 =	vshll.u32 v12, $0x1  }
0x132: {  	v12 =	vand.u32 $0x7, v12;
	v13 =	vand.u32 $0xFFFFFFF0, v58  }
0x133: {  	v12 =	vor.u32 v12, v13  }
0x134: {  	v13 =	vperm.xlane v12, v4;
	_ =	sdelay $0x1  }
0x135: {  	v12 =	vperm.xlane v12, v5;
	v13 =	vadd.s32 v6, v13;
	_ =	sdelay $0x1  }
0x136: {  	v12 =	vadd.s32 v6, v12;
	_ =	sdelay $0x2  }
0x137: {  	[tilespmem:s18], [sflag:$0x1] =	stream.indirect_vreg.gather [hbm4b:s3+s2], $0x80, v13, vm0, $0xb8;
	[tilespmem:$0x1C200] =	vst v63  }
0x138: {  	_ = 	snop  }
0x139: {  	[tilespmem:s19], [sflag:$0x1] =	stream.indirect_vreg.gather [hbm4b:s3+s2], $0x80, v12, vm0, $0xb8;
	[tilespmem:$0x1C200] =	vst v63  }
0x13a: {  	v12 =	vld [tilespmem:$0x170];
	_ =	sdelay $0x4  }
0x13b: {  	v59 =	vshll.u32 v12, $0x1  }
0x13c: {  	v12 =	vand.u32 $0x7, v12;
	v13 =	vand.u32 $0xFFFFFFF0, v59  }
0x13d: {  	v12 =	vor.u32 v12, v13  }
0x13e: {  	v13 =	vperm.xlane v12, v4;
	_ =	sdelay $0x1  }
0x13f: {  	v12 =	vperm.xlane v12, v5;
	v13 =	vadd.s32 v6, v13;
	_ =	sdelay $0x1  }
0x140: {  	v12 =	vadd.s32 v6, v12;
	_ =	sdelay $0x2  }
0x141: {  	[tilespmem:s20], [sflag:$0x1] =	stream.indirect_vreg.gather [hbm4b:s3+s2], $0x80, v13, vm0, $0xb8;
	[tilespmem:$0x1C200] =	vst v63  }
0x142: {  	_ = 	snop  }
0x143: {  	[tilespmem:s21], [sflag:$0x1] =	stream.indirect_vreg.gather [hbm4b:s3+s2], $0x80, v12, vm0, $0xb8;
	[tilespmem:$0x1C200] =	vst v63  }
0x144: {  	v12 =	vld [tilespmem:$0x180];
	_ =	sdelay $0x4  }
0x145: {  	v60 =	vshll.u32 v12, $0x1  }
0x146: {  	v12 =	vand.u32 $0x7, v12;
	v13 =	vand.u32 $0xFFFFFFF0, v60  }
0x147: {  	v12 =	vor.u32 v12, v13  }
0x148: {  	v13 =	vperm.xlane v12, v4;
	_ =	sdelay $0x1  }
0x149: {  	v12 =	vperm.xlane v12, v5;
	v13 =	vadd.s32 v6, v13;
	_ =	sdelay $0x1  }
0x14a: {  	v12 =	vadd.s32 v6, v12;
	_ =	sdelay $0x2  }
0x14b: {  	[tilespmem:s22], [sflag:$0x1] =	stream.indirect_vreg.gather [hbm4b:s3+s2], $0x80, v13, vm0, $0xb8;
	[tilespmem:$0x1C200] =	vst v63  }
0x14c: {  	_ = 	snop  }
0x14d: {  	[tilespmem:s23], [sflag:$0x1] =	stream.indirect_vreg.gather [hbm4b:s3+s2], $0x80, v12, vm0, $0xb8;
	[tilespmem:$0x1C200] =	vst v63  }
0x14e: {  	v12 =	vld [tilespmem:$0x190];
	_ =	sdelay $0x4  }
0x14f: {  	v61 =	vshll.u32 v12, $0x1  }
0x150: {  	v12 =	vand.u32 $0x7, v12;
	v13 =	vand.u32 $0xFFFFFFF0, v61  }
0x151: {  	v12 =	vor.u32 v12, v13  }
0x152: {  	v13 =	vperm.xlane v12, v4;
	_ =	sdelay $0x1  }
0x153: {  	v12 =	vperm.xlane v12, v5;
	v13 =	vadd.s32 v6, v13;
	_ =	sdelay $0x1  }
0x154: {  	v12 =	vadd.s32 v6, v12;
	_ =	sdelay $0x2  }
0x155: {  	[tilespmem:s24], [sflag:$0x1] =	stream.indirect_vreg.gather [hbm4b:s3+s2], $0x80, v13, vm0, $0xb8;
	[tilespmem:$0x1C200] =	vst v63  }
0x156: {  	_ = 	snop  }
0x157: {  	[tilespmem:s25], [sflag:$0x1] =	stream.indirect_vreg.gather [hbm4b:s3+s2], $0x80, v12, vm0, $0xb8;
	[tilespmem:$0x1C200] =	vst v63  }
0x158: {  	v12 =	vld [tilespmem:$0x1A0];
	_ =	sdelay $0x4  }
0x159: {  	v62 =	vshll.u32 v12, $0x1  }
0x15a: {  	v12 =	vand.u32 $0x7, v12;
	v13 =	vand.u32 $0xFFFFFFF0, v62  }
0x15b: {  	v12 =	vor.u32 v12, v13  }
0x15c: {  	v13 =	vperm.xlane v12, v4;
	_ =	sdelay $0x1  }
0x15d: {  	v12 =	vperm.xlane v12, v5;
	v13 =	vadd.s32 v6, v13;
	_ =	sdelay $0x1  }
0x15e: {  	v12 =	vadd.s32 v6, v12;
	_ =	sdelay $0x2  }
0x15f: {  	[tilespmem:s26], [sflag:$0x1] =	stream.indirect_vreg.gather [hbm4b:s3+s2], $0x80, v13, vm0, $0xb8;
	[tilespmem:$0x1C200] =	vst v63  }
0x160: {  	_ = 	snop  }
0x161: {  	[tilespmem:s28], [sflag:$0x1] =	stream.indirect_vreg.gather [hbm4b:s3+s2], $0x80, v12, vm0, $0xb8;
	[tilespmem:$0x1C200] =	vst v63  }
0x162: {  	v12 =	vld [tilespmem:$0x1B0];
	_ =	sdelay $0x4  }
0x163: {  	v63 =	vshll.u32 v12, $0x1  }
0x164: {  	v12 =	vand.u32 $0x7, v12;
	v13 =	vand.u32 $0xFFFFFFF0, v63  }
0x165: {  	v12 =	vor.u32 v12, v13  }
0x166: {  	v13 =	vperm.xlane v12, v4;
	_ =	sdelay $0x1  }
0x167: {  	v12 =	vperm.xlane v12, v5;
	v13 =	vadd.s32 v6, v13;
	_ =	sdelay $0x1  }
0x168: {  	v12 =	vadd.s32 v6, v12;
	_ =	sdelay $0x2  }
0x169: {  	[tilespmem:s29], [sflag:$0x1] =	stream.indirect_vreg.gather [hbm4b:s3+s2], $0x80, v13, vm0, $0xb8;
	[tilespmem:$0x1C200] =	vst v63  }
0x16a: {  	_ = 	snop  }
0x16b: {  	[tilespmem:s30], [sflag:$0x1] =	stream.indirect_vreg.gather [hbm4b:s3+s2], $0x80, v12, vm0, $0xb8;
	[tilespmem:$0x1C200] =	vst v63  }
0x16c: {  	_ =	swait.ge [sflag:s31], $0x4000  }
0x16d: {  	[sflag:s31] =	ssyncset.done $0x0  }
0x16e: {  	[sflag:s31] =	ssyncadd.s32 $0xFFFFC000  }
0x16f: {  	_ =	swait.ge [sflag:s31], $0x4000  }
0x170: {  	[sflag:s31] =	ssyncset.done $0x0  }
0x171: {  	[sflag:s31] =	ssyncadd.s32 $0xFFFFC000  }
0x172: {  	_ =	swait.ge [sflag:s31], $0x4000  }
0x173: {  	[sflag:s31] =	ssyncset.done $0x0  }
0x174: {  	[sflag:s31] =	ssyncadd.s32 $0xFFFFC000  }
0x175: {  	_ =	swait.ge [sflag:s31], $0x4000  }
0x176: {  	[sflag:s31] =	ssyncset.done $0x0  }
0x177: {  	[sflag:s31] =	ssyncadd.s32 $0xFFFFC000  }
0x178: {  	_ =	swait.ge [sflag:s31], $0x4000  }
0x179: {  	[sflag:s31] =	ssyncset.done $0x0  }
0x17a: {  	[sflag:s31] =	ssyncadd.s32 $0xFFFFC000  }
0x17b: {  	_ =	swait.ge [sflag:s31], $0x4000  }
0x17c: {  	[sflag:s31] =	ssyncset.done $0x0  }
0x17d: {  	[sflag:s31] =	ssyncadd.s32 $0xFFFFC000  }
0x17e: {  	_ =	swait.ge [sflag:s31], $0x4000  }
0x17f: {  	p0 =	sne.s32 s4, $0x1;
	[sflag:s31] =	ssyncset.done $0x0  }
.Ltmp1:
0x180: {  	s6 =	rddreg [dreg:$0x3];
	[sflag:s31] =	ssyncadd.s32 $0xFFFFC000;
	(pc) =	sbr.rel @p0 .LBB2_2-.Ltmp1, $4  }
0x181: {  	[hbm4b:s6+s2] =	stream.linear.scatter [tilespmem:s5], [sflag:$0x2], $0x1C000, $0x38;
	[tilespmem:$0x1C200] =	vst v63  }
0x182: {  	_ =	swait.ge [sflag:s0], $0x1C000  }
0x183: {  	[sflag:s0] =	ssyncset.done $0x0  }
0x184: {  	s4 =	sadd.s32 $0xFFFFFFFF, s4;
	[sflag:s0] =	ssyncadd.s32 $0xFFFE4000  }
.LBB2_3:
0x185: {  	_ =	sfence.sel $0x180000  }
0x186: {  	[bflag:$0x0] =	sbarrier.arrive $0xFFFF  }
0x187: {  	_ =	strace $0x90000047  }
0x188: {  	s0 =	stileid.u32;
	[bflag:$0x2] =	sbarrier.arrive $0xFFFF  }
0x189: {  	p0 =	sne.s32 s0, $0x0;
	s0 =	rddreg [dreg:$0x2]  }
0x18a: {  	s0 =	sadd.s32 @!p0 $0x100000, s0  }
0x18b: {  	[sflag:s0] =	ssyncadd.tile.s32 @!p0 $0x1;
	_ =	shalt  }
.Lfunc_end2:
_tile_overlayer_lowered:
.L_overlay_start_2:
0x18c: {  	(tag) =	ssettag $0x2  }
0x18d: {  	s0 =	rddreg [dreg:$0x0];
	s2 =	stileid.u32  }
0x18e: {  	s1 =	rddreg [dreg:$0x1];
	p0 =	sne.s32 s2, $0x0  }
0x18f: {  	s3 =	rddreg [dreg:$0x2];
	[bflag:$0x3] =	sbarrier.arrive $0xFFFF;
	s2 =	simm.s32 @!p0 $0x1C02  }
0x190: {  	[timem:s3], [sflag:s2] =	dma.local @!p0 [hbm:s0], s1  }
0x191: {  	s0 =	simm.s32 @!p0 $0x2  }
0x192: {  	_ =	swait.ge @!p0 [sflag:s0], s1  }
0x193: {  	s1 =	ssub.s32 @!p0 $0x0, s1;
	[sflag:s0] =	ssyncset.done @!p0 $0x0  }
0x194: {  	[sflag:s0] =	ssyncadd.s32 @!p0 s1  }
0x195: {  	[bflag:$0x3] =	sbarrier.arrive $0xFFFF  }
0x196: {  	_ =	shalt  }

</sc_bundles>
